<compile_context>
chip_gen: v7x
topology: tpu7x:2x2x1
jax: 0.10.2.dev20260603
libtpu: 0.0.44.dev20260713+nightly
codegen_flags: <defaults>
</compile_context>

<pallas_src>
import functools

import jax
import jax.numpy as jnp
from jax import lax
from jax.experimental import pallas as pl
from jax.experimental.pallas import tpu as pltpu
from jax.experimental.pallas import tpu_sc as plsc

_DIM = 32
_CHUNK = 800


def _build(n_rows: int):
    info = plsc.get_sparse_core_info()
    nw = info.num_cores * info.num_subcores
    assert n_rows % nw == 0
    per_w = n_rows // nw
    assert per_w % _CHUNK == 0
    n_chunks = per_w // _CHUNK
    assert n_chunks % 2 == 0 and n_chunks >= 4

    mesh = plsc.VectorSubcoreMesh(core_axis_name="c", subcore_axis_name="s")

    @functools.partial(
        pl.kernel,
        mesh=mesh,
        out_type=jax.ShapeDtypeStruct((n_rows, 2, _DIM), jnp.float32),
        compiler_params=pltpu.CompilerParams(use_tc_tiling_on_sc=False),
        scratch_types=[
            pltpu.VMEM((2, _CHUNK), jnp.int32),
            pltpu.VMEM((2, _CHUNK), jnp.int32),
            pltpu.VMEM((2, _CHUNK, _DIM), jnp.float32),
            pltpu.VMEM((2, _CHUNK, _DIM), jnp.float32),
        ] + [pltpu.SemaphoreType.DMA] * 6,
    )
    def k(ww_hbm, wf_hbm, word_hbm, feat_hbm, out_hbm,
          idx_w, idx_f, rows_w, rows_f, si0, si1, sg0, sg1, so0, so1):
        wid = lax.axis_index("s") * info.num_cores + lax.axis_index("c")
        base = wid * per_w
        si = (si0, si1)
        sg = (sg0, sg1)
        so = (so0, so1)

        def idx_copies(g, b):
            off = base + g * _CHUNK
            return (
                pltpu.make_async_copy(
                    word_hbm.at[pl.ds(off, _CHUNK)], idx_w.at[b], si[b]),
                pltpu.make_async_copy(
                    feat_hbm.at[pl.ds(off, _CHUNK)], idx_f.at[b], si[b]),
            )

        def gather_copies(b):
            return (
                pltpu.make_async_copy(ww_hbm.at[idx_w.at[b]], rows_w.at[b], sg[b]),
                pltpu.make_async_copy(wf_hbm.at[idx_f.at[b]], rows_f.at[b], sg[b]),
            )

        def write_copies(g, b):
            off = base + g * _CHUNK
            return (
                pltpu.make_async_copy(
                    rows_w.at[b], out_hbm.at[pl.ds(off, _CHUNK), 0], so[b]),
                pltpu.make_async_copy(
                    rows_f.at[b], out_hbm.at[pl.ds(off, _CHUNK), 1], so[b]),
            )

        for c in idx_copies(0, 0):
            c.start()

        def chunk_step(g, b):
            @pl.when(g >= 2)
            def _():
                for c in write_copies(g - 2, b):
                    c.wait()
            for c in idx_copies(g, b):
                c.wait()
            for c in gather_copies(b):
                c.start()
            @pl.when(g + 1 < n_chunks)
            def _():
                for c in idx_copies(g + 1, 1 - b):
                    c.start()
            for c in gather_copies(b):
                c.wait()
            for c in write_copies(g, b):
                c.start()

        @pl.loop(0, n_chunks, step=2)
        def _(t):
            chunk_step(t, 0)
            chunk_step(t + 1, 1)

        for c in write_copies(n_chunks - 2, 0):
            c.wait()
        for c in write_copies(n_chunks - 1, 1):
            c.wait()

    return k


def kernel(word, feat, W_word, W_feat):
    b, l = word.shape
    n_rows = b * l
    out = _build(n_rows)(W_word, W_feat, word.reshape(-1), feat.reshape(-1))
    return out.reshape(b, l, 2 * _DIM)

# --- scband reference (transcript-rebuilt; emitter-appended) ---
"""Pipeline reference for scband-embeddings-stack-9887014715521 (READ-ONLY COPY).

The authoritative reference and input builder live on the scoring server;
editing this copy changes nothing except your own understanding.
"""

import jax, jax.numpy as jnp
import numpy as np

B = 16384
L = 50
VOCAB_WORD = 1000000
VOCAB_FEAT = 100000
DIM = 32

def setup_inputs(seed: int = 0) -> dict:
    key = jax.random.key(seed)
    k1, k2, k3, k4 = jax.random.split(key, 4)
    word = jax.random.randint(k1, (B, L), 0, VOCAB_WORD, dtype=jnp.int64 if jax.config.jax_enable_x64 else jnp.int32).astype(jnp.int32)
    feat = jax.random.randint(k2, (B, L), 0, VOCAB_FEAT, dtype=jnp.int32)
    W_word = jax.random.normal(k3, (VOCAB_WORD, DIM), dtype=jnp.float32) * 0.02
    W_feat = jax.random.normal(k4, (VOCAB_FEAT, DIM), dtype=jnp.float32) * 0.02
    return {"word": word, "feat": feat, "W_word": W_word, "W_feat": W_feat}

def reference(word, feat, W_word, W_feat):
    # EmbeddingsStack.call: embed each named input, concat along last axis
    emb_word = jnp.take(W_word, word, axis=0)   # [B, L, DIM]
    emb_feat = jnp.take(W_feat, feat, axis=0)   # [B, L, DIM]
    word_embeddings = jnp.concatenate([emb_word, emb_feat], axis=-1)  # [B, L, 2*DIM]
    return word_embeddings

if __name__ == "__main__":
    import jax
    _d = setup_inputs()
    print(jax.jit(kernel)(*tuple(_d.values())))

</pallas_src>

<mosaic_0001>
#map = affine_map<(d0, d1) -> (0, 0)>
#map1 = affine_map<(d0, d1) -> (0)>
#map2 = affine_map<(d0, d1) -> (0, 0, 0)>
module attributes {stable_mosaic.version = 14 : i64} {
  func.func @k(%arg0: i32, %arg1: i32, %arg2: memref<1000000x32xf32, #tpu.memory_space<hbm>>, %arg3: memref<100000x32xf32, #tpu.memory_space<hbm>>, %arg4: memref<819200xi32, #tpu.memory_space<hbm>>, %arg5: memref<819200xi32, #tpu.memory_space<hbm>>, %arg6: memref<819200x2x32xf32, #tpu.memory_space<hbm>>, %arg7: memref<2x800xi32, #tpu.memory_space<vmem>>, %arg8: memref<2x800xi32, #tpu.memory_space<vmem>>, %arg9: memref<2x800x32xf32, #tpu.memory_space<vmem>>, %arg10: memref<2x800x32xf32, #tpu.memory_space<vmem>>, %arg11: memref<!tpu.dma_semaphore, #tpu.memory_space<semaphore_mem>>, %arg12: memref<!tpu.dma_semaphore, #tpu.memory_space<semaphore_mem>>, %arg13: memref<!tpu.dma_semaphore, #tpu.memory_space<semaphore_mem>>, %arg14: memref<!tpu.dma_semaphore, #tpu.memory_space<semaphore_mem>>, %arg15: memref<!tpu.dma_semaphore, #tpu.memory_space<semaphore_mem>>, %arg16: memref<!tpu.dma_semaphore, #tpu.memory_space<semaphore_mem>>) attributes {dimension_semantics = [#tpu.dimension_semantics<core_parallel>, #tpu.dimension_semantics<subcore_parallel>], iteration_bounds = array<i64: 2, 16>, scalar_prefetch = 0 : i64, scratch_operands = 10 : i64, tpu.core_type = #tpu.core_type<sc_vector_subcore>, window_params = [{transform_indices = #map}, {transform_indices = #map}, {transform_indices = #map1}, {transform_indices = #map1}, {transform_indices = #map2}]} {
    %mul3A = arith.constant 2 : i32
    %mul3A_0 = arith.muli %arg1, %mul3A : i32
    %add3A = arith.addi %mul3A_0, %arg0 : i32
    %mul3A_1 = arith.constant 25600 : i32
    %mul3A_2 = arith.muli %add3A, %mul3A_1 : i32
    %add3A_3 = arith.constant 0 : i32
    %add3A_4 = arith.addi %mul3A_2, %add3A_3 : i32
    %dma_start3A = arith.constant 0 : i32
    %dma_start3A_5 = arith.constant 0 : i32
    %dma_start3A_6 = tpu.memref_slice %arg7[%dma_start3A, %dma_start3A_5] : memref<2x800xi32, #tpu.memory_space<vmem>> -> memref<1x800xi32, #tpu.memory_space<vmem>>
    %dma_start3A_7 = tpu.memref_squeeze %dma_start3A_6 : memref<1x800xi32, #tpu.memory_space<vmem>> -> memref<800xi32, #tpu.memory_space<vmem>>
    %dma_start3A_8 = tpu.memref_slice %arg4[%add3A_4] : memref<819200xi32, #tpu.memory_space<hbm>> -> memref<800xi32, #tpu.memory_space<hbm>>
    %dma_start3A_9 = arith.constant 0 : i32
    %dma_start3A_10 = tpu.memref_slice %arg7[%dma_start3A, %dma_start3A_9] : memref<2x800xi32, #tpu.memory_space<vmem>> -> memref<1x800xi32, #tpu.memory_space<vmem>>
    %dma_start3A_11 = tpu.memref_squeeze %dma_start3A_10 : memref<1x800xi32, #tpu.memory_space<vmem>> -> memref<800xi32, #tpu.memory_space<vmem>>
    %dma_start3A_12 = tpu.memref_slice %arg4[%add3A_4] : memref<819200xi32, #tpu.memory_space<hbm>> -> memref<800xi32, #tpu.memory_space<hbm>>
    tpu.enqueue_dma source(%dma_start3A_12 : memref<800xi32, #tpu.memory_space<hbm>>) target(%dma_start3A_11 : memref<800xi32, #tpu.memory_space<vmem>>) target_semaphore(%arg11 : memref<!tpu.dma_semaphore, #tpu.memory_space<semaphore_mem>>)
    %dma_start3A_13 = arith.constant 0 : i32
    %dma_start3A_14 = arith.constant 0 : i32
    %dma_start3A_15 = tpu.memref_slice %arg8[%dma_start3A_13, %dma_start3A_14] : memref<2x800xi32, #tpu.memory_space<vmem>> -> memref<1x800xi32, #tpu.memory_space<vmem>>
    %dma_start3A_16 = tpu.memref_squeeze %dma_start3A_15 : memref<1x800xi32, #tpu.memory_space<vmem>> -> memref<800xi32, #tpu.memory_space<vmem>>
    %dma_start3A_17 = tpu.memref_slice %arg5[%add3A_4] : memref<819200xi32, #tpu.memory_space<hbm>> -> memref<800xi32, #tpu.memory_space<hbm>>
    %dma_start3A_18 = arith.constant 0 : i32
    %dma_start3A_19 = tpu.memref_slice %arg8[%dma_start3A_13, %dma_start3A_18] : memref<2x800xi32, #tpu.memory_space<vmem>> -> memref<1x800xi32, #tpu.memory_space<vmem>>
    %dma_start3A_20 = tpu.memref_squeeze %dma_start3A_19 : memref<1x800xi32, #tpu.memory_space<vmem>> -> memref<800xi32, #tpu.memory_space<vmem>>
    %dma_start3A_21 = tpu.memref_slice %arg5[%add3A_4] : memref<819200xi32, #tpu.memory_space<hbm>> -> memref<800xi32, #tpu.memory_space<hbm>>
    tpu.enqueue_dma source(%dma_start3A_21 : memref<800xi32, #tpu.memory_space<hbm>>) target(%dma_start3A_20 : memref<800xi32, #tpu.memory_space<vmem>>) target_semaphore(%arg11 : memref<!tpu.dma_semaphore, #tpu.memory_space<semaphore_mem>>)
    %scan3A = arith.constant 0 : i32
    %scan3A_22 = arith.constant 16 : i32
    %scan3A_23 = arith.addi %scan3A, %scan3A_22 : i32
    %scan3A_24 = arith.constant 1 : i32
    scf.for %scan3A_93 = %scan3A to %scan3A_23 step %scan3A_24  : i32 {
      %mul3A_94 = arith.constant 2 : i32
      %mul3A_95 = arith.muli %scan3A_93, %mul3A_94 : i32
      %add3A_96 = arith.constant 0 : i32
      %add3A_97 = arith.addi %add3A_96, %mul3A_95 : i32
      %ge3A = arith.constant 2 : i32
      %ge3A_98 = arith.cmpi sge, %add3A_97, %ge3A : i32
      %convert_element_type3A = arith.extui %ge3A_98 : i1 to i32
      %cond3A = arith.constant 0 : i32
      %cond3A_99 = arith.cmpi ne, %convert_element_type3A, %cond3A : i32
      scf.if %cond3A_99 {
        %sub3A = arith.constant 2 : i32
        %sub3A_328 = arith.subi %add3A_97, %sub3A : i32
        %mul3A_329 = arith.constant 800 : i32
        %mul3A_330 = arith.muli %sub3A_328, %mul3A_329 : i32
        %add3A_331 = arith.addi %mul3A_2, %mul3A_330 : i32
        %dma_wait3A_332 = arith.constant 0 : i32
        %dma_wait3A_333 = arith.constant 0 : i32
        %dma_wait3A_334 = arith.constant 0 : i32
        %dma_wait3A_335 = arith.constant 0 : i32
        %dma_wait3A_336 = tpu.memref_slice %arg9[%dma_wait3A_332, %dma_wait3A_334, %dma_wait3A_335] : memref<2x800x32xf32, #tpu.memory_space<vmem>> -> memref<1x800x32xf32, #tpu.memory_space<vmem>>
        %dma_wait3A_337 = tpu.memref_squeeze %dma_wait3A_336 : memref<1x800x32xf32, #tpu.memory_space<vmem>> -> memref<800x32xf32, #tpu.memory_space<vmem>>
        %dma_wait3A_338 = arith.constant 0 : i32
        %dma_wait3A_339 = tpu.memref_slice %arg6[%add3A_331, %dma_wait3A_333, %dma_wait3A_338] : memref<819200x2x32xf32, #tpu.memory_space<hbm>> -> memref<800x1x32xf32, #tpu.memory_space<hbm>>
        %dma_wait3A_340 = tpu.memref_squeeze %dma_wait3A_339 : memref<800x1x32xf32, #tpu.memory_space<hbm>> -> memref<800x32xf32, #tpu.memory_space<hbm>>
        %dma_wait3A_341 = arith.constant 0 : i32
        %dma_wait3A_342 = tpu.memref_slice %arg6[%add3A_331, %dma_wait3A_333, %dma_wait3A_341] : memref<819200x2x32xf32, #tpu.memory_space<hbm>> -> memref<800x1x32xf32, #tpu.memory_space<hbm>>
        %dma_wait3A_343 = tpu.memref_squeeze %dma_wait3A_342 : memref<800x1x32xf32, #tpu.memory_space<hbm>> -> memref<800x32xf32, #tpu.memory_space<hbm>>
        %dma_wait3A_344 = arith.constant 0 : i32
        %dma_wait3A_345 = arith.constant 0 : i32
        %dma_wait3A_346 = tpu.memref_slice %arg9[%dma_wait3A_332, %dma_wait3A_344, %dma_wait3A_345] : memref<2x800x32xf32, #tpu.memory_space<vmem>> -> memref<1x800x32xf32, #tpu.memory_space<vmem>>
        %dma_wait3A_347 = tpu.memref_squeeze %dma_wait3A_346 : memref<1x800x32xf32, #tpu.memory_space<vmem>> -> memref<800x32xf32, #tpu.memory_space<vmem>>
        tpu.wait_dma2 semaphore(%arg15 : memref<!tpu.dma_semaphore, #tpu.memory_space<semaphore_mem>>) src(%dma_wait3A_347 : memref<800x32xf32, #tpu.memory_space<vmem>>) dst(%dma_wait3A_343 : memref<800x32xf32, #tpu.memory_space<hbm>>)
        %dma_wait3A_348 = arith.constant 0 : i32
        %dma_wait3A_349 = arith.constant 1 : i32
        %dma_wait3A_350 = arith.constant 0 : i32
        %dma_wait3A_351 = arith.constant 0 : i32
        %dma_wait3A_352 = tpu.memref_slice %arg10[%dma_wait3A_348, %dma_wait3A_350, %dma_wait3A_351] : memref<2x800x32xf32, #tpu.memory_space<vmem>> -> memref<1x800x32xf32, #tpu.memory_space<vmem>>
        %dma_wait3A_353 = tpu.memref_squeeze %dma_wait3A_352 : memref<1x800x32xf32, #tpu.memory_space<vmem>> -> memref<800x32xf32, #tpu.memory_space<vmem>>
        %dma_wait3A_354 = arith.constant 0 : i32
        %dma_wait3A_355 = tpu.memref_slice %arg6[%add3A_331, %dma_wait3A_349, %dma_wait3A_354] : memref<819200x2x32xf32, #tpu.memory_space<hbm>> -> memref<800x1x32xf32, #tpu.memory_space<hbm>>
        %dma_wait3A_356 = tpu.memref_squeeze %dma_wait3A_355 : memref<800x1x32xf32, #tpu.memory_space<hbm>> -> memref<800x32xf32, #tpu.memory_space<hbm>>
        %dma_wait3A_357 = arith.constant 0 : i32
        %dma_wait3A_358 = tpu.memref_slice %arg6[%add3A_331, %dma_wait3A_349, %dma_wait3A_357] : memref<819200x2x32xf32, #tpu.memory_space<hbm>> -> memref<800x1x32xf32, #tpu.memory_space<hbm>>
        %dma_wait3A_359 = tpu.memref_squeeze %dma_wait3A_358 : memref<800x1x32xf32, #tpu.memory_space<hbm>> -> memref<800x32xf32, #tpu.memory_space<hbm>>
        %dma_wait3A_360 = arith.constant 0 : i32
        %dma_wait3A_361 = arith.constant 0 : i32
        %dma_wait3A_362 = tpu.memref_slice %arg10[%dma_wait3A_348, %dma_wait3A_360, %dma_wait3A_361] : memref<2x800x32xf32, #tpu.memory_space<vmem>> -> memref<1x800x32xf32, #tpu.memory_space<vmem>>
        %dma_wait3A_363 = tpu.memref_squeeze %dma_wait3A_362 : memref<1x800x32xf32, #tpu.memory_space<vmem>> -> memref<800x32xf32, #tpu.memory_space<vmem>>
        tpu.wait_dma2 semaphore(%arg15 : memref<!tpu.dma_semaphore, #tpu.memory_space<semaphore_mem>>) src(%dma_wait3A_363 : memref<800x32xf32, #tpu.memory_space<vmem>>) dst(%dma_wait3A_359 : memref<800x32xf32, #tpu.memory_space<hbm>>)
      } else {
      }
      %mul3A_100 = arith.constant 800 : i32
      %mul3A_101 = arith.muli %add3A_97, %mul3A_100 : i32
      %add3A_102 = arith.addi %mul3A_2, %mul3A_101 : i32
      %dma_wait3A_103 = arith.constant 0 : i32
      %dma_wait3A_104 = arith.constant 0 : i32
      %dma_wait3A_105 = tpu.memref_slice %arg7[%dma_wait3A_103, %dma_wait3A_104] : memref<2x800xi32, #tpu.memory_space<vmem>> -> memref<1x800xi32, #tpu.memory_space<vmem>>
      %dma_wait3A_106 = tpu.memref_squeeze %dma_wait3A_105 : memref<1x800xi32, #tpu.memory_space<vmem>> -> memref<800xi32, #tpu.memory_space<vmem>>
      %dma_wait3A_107 = tpu.memref_slice %arg4[%add3A_102] : memref<819200xi32, #tpu.memory_space<hbm>> -> memref<800xi32, #tpu.memory_space<hbm>>
      %dma_wait3A_108 = arith.constant 0 : i32
      %dma_wait3A_109 = tpu.memref_slice %arg7[%dma_wait3A_103, %dma_wait3A_108] : memref<2x800xi32, #tpu.memory_space<vmem>> -> memref<1x800xi32, #tpu.memory_space<vmem>>
      %dma_wait3A_110 = tpu.memref_squeeze %dma_wait3A_109 : memref<1x800xi32, #tpu.memory_space<vmem>> -> memref<800xi32, #tpu.memory_space<vmem>>
      %dma_wait3A_111 = tpu.memref_slice %arg4[%add3A_102] : memref<819200xi32, #tpu.memory_space<hbm>> -> memref<800xi32, #tpu.memory_space<hbm>>
      tpu.wait_dma2 semaphore(%arg11 : memref<!tpu.dma_semaphore, #tpu.memory_space<semaphore_mem>>) src(%dma_wait3A_111 : memref<800xi32, #tpu.memory_space<hbm>>) dst(%dma_wait3A_110 : memref<800xi32, #tpu.memory_space<vmem>>)
      %dma_wait3A_112 = arith.constant 0 : i32
      %dma_wait3A_113 = arith.constant 0 : i32
      %dma_wait3A_114 = tpu.memref_slice %arg8[%dma_wait3A_112, %dma_wait3A_113] : memref<2x800xi32, #tpu.memory_space<vmem>> -> memref<1x800xi32, #tpu.memory_space<vmem>>
      %dma_wait3A_115 = tpu.memref_squeeze %dma_wait3A_114 : memref<1x800xi32, #tpu.memory_space<vmem>> -> memref<800xi32, #tpu.memory_space<vmem>>
      %dma_wait3A_116 = tpu.memref_slice %arg5[%add3A_102] : memref<819200xi32, #tpu.memory_space<hbm>> -> memref<800xi32, #tpu.memory_space<hbm>>
      %dma_wait3A_117 = arith.constant 0 : i32
      %dma_wait3A_118 = tpu.memref_slice %arg8[%dma_wait3A_112, %dma_wait3A_117] : memref<2x800xi32, #tpu.memory_space<vmem>> -> memref<1x800xi32, #tpu.memory_space<vmem>>
      %dma_wait3A_119 = tpu.memref_squeeze %dma_wait3A_118 : memref<1x800xi32, #tpu.memory_space<vmem>> -> memref<800xi32, #tpu.memory_space<vmem>>
      %dma_wait3A_120 = tpu.memref_slice %arg5[%add3A_102] : memref<819200xi32, #tpu.memory_space<hbm>> -> memref<800xi32, #tpu.memory_space<hbm>>
      tpu.wait_dma2 semaphore(%arg11 : memref<!tpu.dma_semaphore, #tpu.memory_space<semaphore_mem>>) src(%dma_wait3A_120 : memref<800xi32, #tpu.memory_space<hbm>>) dst(%dma_wait3A_119 : memref<800xi32, #tpu.memory_space<vmem>>)
      %dma_start3A_121 = arith.constant 0 : i32
      %dma_start3A_122 = arith.constant 0 : i32
      %dma_start3A_123 = arith.constant 0 : i32
      %dma_start3A_124 = arith.constant 0 : i32
      %dma_start3A_125 = tpu.memref_slice %arg9[%dma_start3A_122, %dma_start3A_123, %dma_start3A_124] : memref<2x800x32xf32, #tpu.memory_space<vmem>> -> memref<1x800x32xf32, #tpu.memory_space<vmem>>
      %dma_start3A_126 = tpu.memref_squeeze %dma_start3A_125 : memref<1x800x32xf32, #tpu.memory_space<vmem>> -> memref<800x32xf32, #tpu.memory_space<vmem>>
      %dma_start3A_127 = arith.constant 0 : i32
      %dma_start3A_128 = tpu.memref_slice %arg7[%dma_start3A_121, %dma_start3A_127] : memref<2x800xi32, #tpu.memory_space<vmem>> -> memref<1x800xi32, #tpu.memory_space<vmem>>
      %dma_start3A_129 = tpu.memref_squeeze %dma_start3A_128 : memref<1x800xi32, #tpu.memory_space<vmem>> -> memref<800xi32, #tpu.memory_space<vmem>>
      %dma_start3A_130 = arith.constant 0 : i32
      %dma_start3A_131 = arith.constant 0 : i32
      %dma_start3A_132 = tpu.memref_slice %arg2[%dma_start3A_130, %dma_start3A_131] : memref<1000000x32xf32, #tpu.memory_space<hbm>> -> memref<1000000x32xf32, #tpu.memory_space<hbm>>
      tpu.enqueue_indirect_dma source(%dma_start3A_132 : memref<1000000x32xf32, #tpu.memory_space<hbm>>) target(%dma_start3A_126 : memref<800x32xf32, #tpu.memory_space<vmem>>) offsets(%dma_start3A_129 : memref<800xi32, #tpu.memory_space<vmem>>) semaphore(%arg13 : memref<!tpu.dma_semaphore, #tpu.memory_space<semaphore_mem>>)
      %dma_start3A_133 = arith.constant 0 : i32
      %dma_start3A_134 = arith.constant 0 : i32
      %dma_start3A_135 = arith.constant 0 : i32
      %dma_start3A_136 = arith.constant 0 : i32
      %dma_start3A_137 = tpu.memref_slice %arg10[%dma_start3A_134, %dma_start3A_135, %dma_start3A_136] : memref<2x800x32xf32, #tpu.memory_space<vmem>> -> memref<1x800x32xf32, #tpu.memory_space<vmem>>
      %dma_start3A_138 = tpu.memref_squeeze %dma_start3A_137 : memref<1x800x32xf32, #tpu.memory_space<vmem>> -> memref<800x32xf32, #tpu.memory_space<vmem>>
      %dma_start3A_139 = arith.constant 0 : i32
      %dma_start3A_140 = tpu.memref_slice %arg8[%dma_start3A_133, %dma_start3A_139] : memref<2x800xi32, #tpu.memory_space<vmem>> -> memref<1x800xi32, #tpu.memory_space<vmem>>
      %dma_start3A_141 = tpu.memref_squeeze %dma_start3A_140 : memref<1x800xi32, #tpu.memory_space<vmem>> -> memref<800xi32, #tpu.memory_space<vmem>>
      %dma_start3A_142 = arith.constant 0 : i32
      %dma_start3A_143 = arith.constant 0 : i32
      %dma_start3A_144 = tpu.memref_slice %arg3[%dma_start3A_142, %dma_start3A_143] : memref<100000x32xf32, #tpu.memory_space<hbm>> -> memref<100000x32xf32, #tpu.memory_space<hbm>>
      tpu.enqueue_indirect_dma source(%dma_start3A_144 : memref<100000x32xf32, #tpu.memory_space<hbm>>) target(%dma_start3A_138 : memref<800x32xf32, #tpu.memory_space<vmem>>) offsets(%dma_start3A_141 : memref<800xi32, #tpu.memory_space<vmem>>) semaphore(%arg13 : memref<!tpu.dma_semaphore, #tpu.memory_space<semaphore_mem>>)
      %add3A_145 = arith.constant 1 : i32
      %add3A_146 = arith.addi %add3A_97, %add3A_145 : i32
      %lt3A = arith.constant 32 : i32
      %lt3A_147 = arith.cmpi slt, %add3A_146, %lt3A : i32
      %convert_element_type3A_148 = arith.extui %lt3A_147 : i1 to i32
      %cond3A_149 = arith.constant 0 : i32
      %cond3A_150 = arith.cmpi ne, %convert_element_type3A_148, %cond3A_149 : i32
      scf.if %cond3A_150 {
        %add3A_328 = arith.constant 1 : i32
        %add3A_329 = arith.addi %add3A_97, %add3A_328 : i32
        %mul3A_330 = arith.constant 800 : i32
        %mul3A_331 = arith.muli %add3A_329, %mul3A_330 : i32
        %add3A_332 = arith.addi %mul3A_2, %mul3A_331 : i32
        %dma_start3A_333 = arith.constant 1 : i32
        %dma_start3A_334 = arith.constant 0 : i32
        %dma_start3A_335 = tpu.memref_slice %arg7[%dma_start3A_333, %dma_start3A_334] : memref<2x800xi32, #tpu.memory_space<vmem>> -> memref<1x800xi32, #tpu.memory_space<vmem>>
        %dma_start3A_336 = tpu.memref_squeeze %dma_start3A_335 : memref<1x800xi32, #tpu.memory_space<vmem>> -> memref<800xi32, #tpu.memory_space<vmem>>
        %dma_start3A_337 = tpu.memref_slice %arg4[%add3A_332] : memref<819200xi32, #tpu.memory_space<hbm>> -> memref<800xi32, #tpu.memory_space<hbm>>
        %dma_start3A_338 = arith.constant 0 : i32
        %dma_start3A_339 = tpu.memref_slice %arg7[%dma_start3A_333, %dma_start3A_338] : memref<2x800xi32, #tpu.memory_space<vmem>> -> memref<1x800xi32, #tpu.memory_space<vmem>>
        %dma_start3A_340 = tpu.memref_squeeze %dma_start3A_339 : memref<1x800xi32, #tpu.memory_space<vmem>> -> memref<800xi32, #tpu.memory_space<vmem>>
        %dma_start3A_341 = tpu.memref_slice %arg4[%add3A_332] : memref<819200xi32, #tpu.memory_space<hbm>> -> memref<800xi32, #tpu.memory_space<hbm>>
        tpu.enqueue_dma source(%dma_start3A_341 : memref<800xi32, #tpu.memory_space<hbm>>) target(%dma_start3A_340 : memref<800xi32, #tpu.memory_space<vmem>>) target_semaphore(%arg12 : memref<!tpu.dma_semaphore, #tpu.memory_space<semaphore_mem>>)
        %dma_start3A_342 = arith.constant 1 : i32
        %dma_start3A_343 = arith.constant 0 : i32
        %dma_start3A_344 = tpu.memref_slice %arg8[%dma_start3A_342, %dma_start3A_343] : memref<2x800xi32, #tpu.memory_space<vmem>> -> memref<1x800xi32, #tpu.memory_space<vmem>>
        %dma_start3A_345 = tpu.memref_squeeze %dma_start3A_344 : memref<1x800xi32, #tpu.memory_space<vmem>> -> memref<800xi32, #tpu.memory_space<vmem>>
        %dma_start3A_346 = tpu.memref_slice %arg5[%add3A_332] : memref<819200xi32, #tpu.memory_space<hbm>> -> memref<800xi32, #tpu.memory_space<hbm>>
        %dma_start3A_347 = arith.constant 0 : i32
        %dma_start3A_348 = tpu.memref_slice %arg8[%dma_start3A_342, %dma_start3A_347] : memref<2x800xi32, #tpu.memory_space<vmem>> -> memref<1x800xi32, #tpu.memory_space<vmem>>
        %dma_start3A_349 = tpu.memref_squeeze %dma_start3A_348 : memref<1x800xi32, #tpu.memory_space<vmem>> -> memref<800xi32, #tpu.memory_space<vmem>>
        %dma_start3A_350 = tpu.memref_slice %arg5[%add3A_332] : memref<819200xi32, #tpu.memory_space<hbm>> -> memref<800xi32, #tpu.memory_space<hbm>>
        tpu.enqueue_dma source(%dma_start3A_350 : memref<800xi32, #tpu.memory_space<hbm>>) target(%dma_start3A_349 : memref<800xi32, #tpu.memory_space<vmem>>) target_semaphore(%arg12 : memref<!tpu.dma_semaphore, #tpu.memory_space<semaphore_mem>>)
      } else {
      }
      %dma_wait3A_151 = arith.constant 0 : i32
      %dma_wait3A_152 = arith.constant 0 : i32
      %dma_wait3A_153 = arith.constant 0 : i32
      %dma_wait3A_154 = arith.constant 0 : i32
      %dma_wait3A_155 = tpu.memref_slice %arg9[%dma_wait3A_152, %dma_wait3A_153, %dma_wait3A_154] : memref<2x800x32xf32, #tpu.memory_space<vmem>> -> memref<1x800x32xf32, #tpu.memory_space<vmem>>
      %dma_wait3A_156 = tpu.memref_squeeze %dma_wait3A_155 : memref<1x800x32xf32, #tpu.memory_space<vmem>> -> memref<800x32xf32, #tpu.memory_space<vmem>>
      %dma_wait3A_157 = arith.constant 0 : i32
      %dma_wait3A_158 = tpu.memref_slice %arg7[%dma_wait3A_151, %dma_wait3A_157] : memref<2x800xi32, #tpu.memory_space<vmem>> -> memref<1x800xi32, #tpu.memory_space<vmem>>
      %dma_wait3A_159 = tpu.memref_squeeze %dma_wait3A_158 : memref<1x800xi32, #tpu.memory_space<vmem>> -> memref<800xi32, #tpu.memory_space<vmem>>
      %dma_wait3A_160 = arith.constant 0 : i32
      %dma_wait3A_161 = arith.constant 0 : i32
      %dma_wait3A_162 = tpu.memref_slice %arg2[%dma_wait3A_160, %dma_wait3A_161] : memref<1000000x32xf32, #tpu.memory_space<hbm>> -> memref<1000000x32xf32, #tpu.memory_space<hbm>>
      tpu.wait_indirect_dma semaphore(%arg13 : memref<!tpu.dma_semaphore, #tpu.memory_space<semaphore_mem>>) src(%dma_wait3A_162 : memref<1000000x32xf32, #tpu.memory_space<hbm>>) dst(%dma_wait3A_156 : memref<800x32xf32, #tpu.memory_space<vmem>>)
      %dma_wait3A_163 = arith.constant 0 : i32
      %dma_wait3A_164 = arith.constant 0 : i32
      %dma_wait3A_165 = arith.constant 0 : i32
      %dma_wait3A_166 = arith.constant 0 : i32
      %dma_wait3A_167 = tpu.memref_slice %arg10[%dma_wait3A_164, %dma_wait3A_165, %dma_wait3A_166] : memref<2x800x32xf32, #tpu.memory_space<vmem>> -> memref<1x800x32xf32, #tpu.memory_space<vmem>>
      %dma_wait3A_168 = tpu.memref_squeeze %dma_wait3A_167 : memref<1x800x32xf32, #tpu.memory_space<vmem>> -> memref<800x32xf32, #tpu.memory_space<vmem>>
      %dma_wait3A_169 = arith.constant 0 : i32
      %dma_wait3A_170 = tpu.memref_slice %arg8[%dma_wait3A_163, %dma_wait3A_169] : memref<2x800xi32, #tpu.memory_space<vmem>> -> memref<1x800xi32, #tpu.memory_space<vmem>>
      %dma_wait3A_171 = tpu.memref_squeeze %dma_wait3A_170 : memref<1x800xi32, #tpu.memory_space<vmem>> -> memref<800xi32, #tpu.memory_space<vmem>>
      %dma_wait3A_172 = arith.constant 0 : i32
      %dma_wait3A_173 = arith.constant 0 : i32
      %dma_wait3A_174 = tpu.memref_slice %arg3[%dma_wait3A_172, %dma_wait3A_173] : memref<100000x32xf32, #tpu.memory_space<hbm>> -> memref<100000x32xf32, #tpu.memory_space<hbm>>
      tpu.wait_indirect_dma semaphore(%arg13 : memref<!tpu.dma_semaphore, #tpu.memory_space<semaphore_mem>>) src(%dma_wait3A_174 : memref<100000x32xf32, #tpu.memory_space<hbm>>) dst(%dma_wait3A_168 : memref<800x32xf32, #tpu.memory_space<vmem>>)
      %mul3A_175 = arith.constant 800 : i32
      %mul3A_176 = arith.muli %add3A_97, %mul3A_175 : i32
      %add3A_177 = arith.addi %mul3A_2, %mul3A_176 : i32
      %dma_start3A_178 = arith.constant 0 : i32
      %dma_start3A_179 = arith.constant 0 : i32
      %dma_start3A_180 = arith.constant 0 : i32
      %dma_start3A_181 = arith.constant 0 : i32
      %dma_start3A_182 = tpu.memref_slice %arg9[%dma_start3A_178, %dma_start3A_180, %dma_start3A_181] : memref<2x800x32xf32, #tpu.memory_space<vmem>> -> memref<1x800x32xf32, #tpu.memory_space<vmem>>
      %dma_start3A_183 = tpu.memref_squeeze %dma_start3A_182 : memref<1x800x32xf32, #tpu.memory_space<vmem>> -> memref<800x32xf32, #tpu.memory_space<vmem>>
      %dma_start3A_184 = arith.constant 0 : i32
      %dma_start3A_185 = tpu.memref_slice %arg6[%add3A_177, %dma_start3A_179, %dma_start3A_184] : memref<819200x2x32xf32, #tpu.memory_space<hbm>> -> memref<800x1x32xf32, #tpu.memory_space<hbm>>
      %dma_start3A_186 = tpu.memref_squeeze %dma_start3A_185 : memref<800x1x32xf32, #tpu.memory_space<hbm>> -> memref<800x32xf32, #tpu.memory_space<hbm>>
      %dma_start3A_187 = arith.constant 0 : i32
      %dma_start3A_188 = tpu.memref_slice %arg6[%add3A_177, %dma_start3A_179, %dma_start3A_187] : memref<819200x2x32xf32, #tpu.memory_space<hbm>> -> memref<800x1x32xf32, #tpu.memory_space<hbm>>
      %dma_start3A_189 = tpu.memref_squeeze %dma_start3A_188 : memref<800x1x32xf32, #tpu.memory_space<hbm>> -> memref<800x32xf32, #tpu.memory_space<hbm>>
      %dma_start3A_190 = arith.constant 0 : i32
      %dma_start3A_191 = arith.constant 0 : i32
      %dma_start3A_192 = tpu.memref_slice %arg9[%dma_start3A_178, %dma_start3A_190, %dma_start3A_191] : memref<2x800x32xf32, #tpu.memory_space<vmem>> -> memref<1x800x32xf32, #tpu.memory_space<vmem>>
      %dma_start3A_193 = tpu.memref_squeeze %dma_start3A_192 : memref<1x800x32xf32, #tpu.memory_space<vmem>> -> memref<800x32xf32, #tpu.memory_space<vmem>>
      tpu.enqueue_dma source(%dma_start3A_193 : memref<800x32xf32, #tpu.memory_space<vmem>>) target(%dma_start3A_189 : memref<800x32xf32, #tpu.memory_space<hbm>>) target_semaphore(%arg15 : memref<!tpu.dma_semaphore, #tpu.memory_space<semaphore_mem>>)
      %dma_start3A_194 = arith.constant 0 : i32
      %dma_start3A_195 = arith.constant 1 : i32
      %dma_start3A_196 = arith.constant 0 : i32
      %dma_start3A_197 = arith.constant 0 : i32
      %dma_start3A_198 = tpu.memref_slice %arg10[%dma_start3A_194, %dma_start3A_196, %dma_start3A_197] : memref<2x800x32xf32, #tpu.memory_space<vmem>> -> memref<1x800x32xf32, #tpu.memory_space<vmem>>
      %dma_start3A_199 = tpu.memref_squeeze %dma_start3A_198 : memref<1x800x32xf32, #tpu.memory_space<vmem>> -> memref<800x32xf32, #tpu.memory_space<vmem>>
      %dma_start3A_200 = arith.constant 0 : i32
      %dma_start3A_201 = tpu.memref_slice %arg6[%add3A_177, %dma_start3A_195, %dma_start3A_200] : memref<819200x2x32xf32, #tpu.memory_space<hbm>> -> memref<800x1x32xf32, #tpu.memory_space<hbm>>
      %dma_start3A_202 = tpu.memref_squeeze %dma_start3A_201 : memref<800x1x32xf32, #tpu.memory_space<hbm>> -> memref<800x32xf32, #tpu.memory_space<hbm>>
      %dma_start3A_203 = arith.constant 0 : i32
      %dma_start3A_204 = tpu.memref_slice %arg6[%add3A_177, %dma_start3A_195, %dma_start3A_203] : memref<819200x2x32xf32, #tpu.memory_space<hbm>> -> memref<800x1x32xf32, #tpu.memory_space<hbm>>
      %dma_start3A_205 = tpu.memref_squeeze %dma_start3A_204 : memref<800x1x32xf32, #tpu.memory_space<hbm>> -> memref<800x32xf32, #tpu.memory_space<hbm>>
      %dma_start3A_206 = arith.constant 0 : i32
      %dma_start3A_207 = arith.constant 0 : i32
      %dma_start3A_208 = tpu.memref_slice %arg10[%dma_start3A_194, %dma_start3A_206, %dma_start3A_207] : memref<2x800x32xf32, #tpu.memory_space<vmem>> -> memref<1x800x32xf32, #tpu.memory_space<vmem>>
      %dma_start3A_209 = tpu.memref_squeeze %dma_start3A_208 : memref<1x800x32xf32, #tpu.memory_space<vmem>> -> memref<800x32xf32, #tpu.memory_space<vmem>>
      tpu.enqueue_dma source(%dma_start3A_209 : memref<800x32xf32, #tpu.memory_space<vmem>>) target(%dma_start3A_205 : memref<800x32xf32, #tpu.memory_space<hbm>>) target_semaphore(%arg15 : memref<!tpu.dma_semaphore, #tpu.memory_space<semaphore_mem>>)
      %add3A_210 = arith.constant 1 : i32
      %add3A_211 = arith.addi %add3A_97, %add3A_210 : i32
      %ge3A_212 = arith.constant 2 : i32
      %ge3A_213 = arith.cmpi sge, %add3A_211, %ge3A_212 : i32
      %convert_element_type3A_214 = arith.extui %ge3A_213 : i1 to i32
      %cond3A_215 = arith.constant 0 : i32
      %cond3A_216 = arith.cmpi ne, %convert_element_type3A_214, %cond3A_215 : i32
      scf.if %cond3A_216 {
        %sub3A = arith.constant 2 : i32
        %sub3A_328 = arith.subi %add3A_211, %sub3A : i32
        %mul3A_329 = arith.constant 800 : i32
        %mul3A_330 = arith.muli %sub3A_328, %mul3A_329 : i32
        %add3A_331 = arith.addi %mul3A_2, %mul3A_330 : i32
        %dma_wait3A_332 = arith.constant 1 : i32
        %dma_wait3A_333 = arith.constant 0 : i32
        %dma_wait3A_334 = arith.constant 0 : i32
        %dma_wait3A_335 = arith.constant 0 : i32
        %dma_wait3A_336 = tpu.memref_slice %arg9[%dma_wait3A_332, %dma_wait3A_334, %dma_wait3A_335] : memref<2x800x32xf32, #tpu.memory_space<vmem>> -> memref<1x800x32xf32, #tpu.memory_space<vmem>>
        %dma_wait3A_337 = tpu.memref_squeeze %dma_wait3A_336 : memref<1x800x32xf32, #tpu.memory_space<vmem>> -> memref<800x32xf32, #tpu.memory_space<vmem>>
        %dma_wait3A_338 = arith.constant 0 : i32
        %dma_wait3A_339 = tpu.memref_slice %arg6[%add3A_331, %dma_wait3A_333, %dma_wait3A_338] : memref<819200x2x32xf32, #tpu.memory_space<hbm>> -> memref<800x1x32xf32, #tpu.memory_space<hbm>>
        %dma_wait3A_340 = tpu.memref_squeeze %dma_wait3A_339 : memref<800x1x32xf32, #tpu.memory_space<hbm>> -> memref<800x32xf32, #tpu.memory_space<hbm>>
        %dma_wait3A_341 = arith.constant 0 : i32
        %dma_wait3A_342 = tpu.memref_slice %arg6[%add3A_331, %dma_wait3A_333, %dma_wait3A_341] : memref<819200x2x32xf32, #tpu.memory_space<hbm>> -> memref<800x1x32xf32, #tpu.memory_space<hbm>>
        %dma_wait3A_343 = tpu.memref_squeeze %dma_wait3A_342 : memref<800x1x32xf32, #tpu.memory_space<hbm>> -> memref<800x32xf32, #tpu.memory_space<hbm>>
        %dma_wait3A_344 = arith.constant 0 : i32
        %dma_wait3A_345 = arith.constant 0 : i32
        %dma_wait3A_346 = tpu.memref_slice %arg9[%dma_wait3A_332, %dma_wait3A_344, %dma_wait3A_345] : memref<2x800x32xf32, #tpu.memory_space<vmem>> -> memref<1x800x32xf32, #tpu.memory_space<vmem>>
        %dma_wait3A_347 = tpu.memref_squeeze %dma_wait3A_346 : memref<1x800x32xf32, #tpu.memory_space<vmem>> -> memref<800x32xf32, #tpu.memory_space<vmem>>
        tpu.wait_dma2 semaphore(%arg16 : memref<!tpu.dma_semaphore, #tpu.memory_space<semaphore_mem>>) src(%dma_wait3A_347 : memref<800x32xf32, #tpu.memory_space<vmem>>) dst(%dma_wait3A_343 : memref<800x32xf32, #tpu.memory_space<hbm>>)
        %dma_wait3A_348 = arith.constant 1 : i32
        %dma_wait3A_349 = arith.constant 1 : i32
        %dma_wait3A_350 = arith.constant 0 : i32
        %dma_wait3A_351 = arith.constant 0 : i32
        %dma_wait3A_352 = tpu.memref_slice %arg10[%dma_wait3A_348, %dma_wait3A_350, %dma_wait3A_351] : memref<2x800x32xf32, #tpu.memory_space<vmem>> -> memref<1x800x32xf32, #tpu.memory_space<vmem>>
        %dma_wait3A_353 = tpu.memref_squeeze %dma_wait3A_352 : memref<1x800x32xf32, #tpu.memory_space<vmem>> -> memref<800x32xf32, #tpu.memory_space<vmem>>
        %dma_wait3A_354 = arith.constant 0 : i32
        %dma_wait3A_355 = tpu.memref_slice %arg6[%add3A_331, %dma_wait3A_349, %dma_wait3A_354] : memref<819200x2x32xf32, #tpu.memory_space<hbm>> -> memref<800x1x32xf32, #tpu.memory_space<hbm>>
        %dma_wait3A_356 = tpu.memref_squeeze %dma_wait3A_355 : memref<800x1x32xf32, #tpu.memory_space<hbm>> -> memref<800x32xf32, #tpu.memory_space<hbm>>
        %dma_wait3A_357 = arith.constant 0 : i32
        %dma_wait3A_358 = tpu.memref_slice %arg6[%add3A_331, %dma_wait3A_349, %dma_wait3A_357] : memref<819200x2x32xf32, #tpu.memory_space<hbm>> -> memref<800x1x32xf32, #tpu.memory_space<hbm>>
        %dma_wait3A_359 = tpu.memref_squeeze %dma_wait3A_358 : memref<800x1x32xf32, #tpu.memory_space<hbm>> -> memref<800x32xf32, #tpu.memory_space<hbm>>
        %dma_wait3A_360 = arith.constant 0 : i32
        %dma_wait3A_361 = arith.constant 0 : i32
        %dma_wait3A_362 = tpu.memref_slice %arg10[%dma_wait3A_348, %dma_wait3A_360, %dma_wait3A_361] : memref<2x800x32xf32, #tpu.memory_space<vmem>> -> memref<1x800x32xf32, #tpu.memory_space<vmem>>
        %dma_wait3A_363 = tpu.memref_squeeze %dma_wait3A_362 : memref<1x800x32xf32, #tpu.memory_space<vmem>> -> memref<800x32xf32, #tpu.memory_space<vmem>>
        tpu.wait_dma2 semaphore(%arg16 : memref<!tpu.dma_semaphore, #tpu.memory_space<semaphore_mem>>) src(%dma_wait3A_363 : memref<800x32xf32, #tpu.memory_space<vmem>>) dst(%dma_wait3A_359 : memref<800x32xf32, #tpu.memory_space<hbm>>)
      } else {
      }
      %mul3A_217 = arith.constant 800 : i32
      %mul3A_218 = arith.muli %add3A_211, %mul3A_217 : i32
      %add3A_219 = arith.addi %mul3A_2, %mul3A_218 : i32
      %dma_wait3A_220 = arith.constant 1 : i32
      %dma_wait3A_221 = arith.constant 0 : i32
      %dma_wait3A_222 = tpu.memref_slice %arg7[%dma_wait3A_220, %dma_wait3A_221] : memref<2x800xi32, #tpu.memory_space<vmem>> -> memref<1x800xi32, #tpu.memory_space<vmem>>
      %dma_wait3A_223 = tpu.memref_squeeze %dma_wait3A_222 : memref<1x800xi32, #tpu.memory_space<vmem>> -> memref<800xi32, #tpu.memory_space<vmem>>
      %dma_wait3A_224 = tpu.memref_slice %arg4[%add3A_219] : memref<819200xi32, #tpu.memory_space<hbm>> -> memref<800xi32, #tpu.memory_space<hbm>>
      %dma_wait3A_225 = arith.constant 0 : i32
      %dma_wait3A_226 = tpu.memref_slice %arg7[%dma_wait3A_220, %dma_wait3A_225] : memref<2x800xi32, #tpu.memory_space<vmem>> -> memref<1x800xi32, #tpu.memory_space<vmem>>
      %dma_wait3A_227 = tpu.memref_squeeze %dma_wait3A_226 : memref<1x800xi32, #tpu.memory_space<vmem>> -> memref<800xi32, #tpu.memory_space<vmem>>
      %dma_wait3A_228 = tpu.memref_slice %arg4[%add3A_219] : memref<819200xi32, #tpu.memory_space<hbm>> -> memref<800xi32, #tpu.memory_space<hbm>>
      tpu.wait_dma2 semaphore(%arg12 : memref<!tpu.dma_semaphore, #tpu.memory_space<semaphore_mem>>) src(%dma_wait3A_228 : memref<800xi32, #tpu.memory_space<hbm>>) dst(%dma_wait3A_227 : memref<800xi32, #tpu.memory_space<vmem>>)
      %dma_wait3A_229 = arith.constant 1 : i32
      %dma_wait3A_230 = arith.constant 0 : i32
      %dma_wait3A_231 = tpu.memref_slice %arg8[%dma_wait3A_229, %dma_wait3A_230] : memref<2x800xi32, #tpu.memory_space<vmem>> -> memref<1x800xi32, #tpu.memory_space<vmem>>
      %dma_wait3A_232 = tpu.memref_squeeze %dma_wait3A_231 : memref<1x800xi32, #tpu.memory_space<vmem>> -> memref<800xi32, #tpu.memory_space<vmem>>
      %dma_wait3A_233 = tpu.memref_slice %arg5[%add3A_219] : memref<819200xi32, #tpu.memory_space<hbm>> -> memref<800xi32, #tpu.memory_space<hbm>>
      %dma_wait3A_234 = arith.constant 0 : i32
      %dma_wait3A_235 = tpu.memref_slice %arg8[%dma_wait3A_229, %dma_wait3A_234] : memref<2x800xi32, #tpu.memory_space<vmem>> -> memref<1x800xi32, #tpu.memory_space<vmem>>
      %dma_wait3A_236 = tpu.memref_squeeze %dma_wait3A_235 : memref<1x800xi32, #tpu.memory_space<vmem>> -> memref<800xi32, #tpu.memory_space<vmem>>
      %dma_wait3A_237 = tpu.memref_slice %arg5[%add3A_219] : memref<819200xi32, #tpu.memory_space<hbm>> -> memref<800xi32, #tpu.memory_space<hbm>>
      tpu.wait_dma2 semaphore(%arg12 : memref<!tpu.dma_semaphore, #tpu.memory_space<semaphore_mem>>) src(%dma_wait3A_237 : memref<800xi32, #tpu.memory_space<hbm>>) dst(%dma_wait3A_236 : memref<800xi32, #tpu.memory_space<vmem>>)
      %dma_start3A_238 = arith.constant 1 : i32
      %dma_start3A_239 = arith.constant 1 : i32
      %dma_start3A_240 = arith.constant 0 : i32
      %dma_start3A_241 = arith.constant 0 : i32
      %dma_start3A_242 = tpu.memref_slice %arg9[%dma_start3A_239, %dma_start3A_240, %dma_start3A_241] : memref<2x800x32xf32, #tpu.memory_space<vmem>> -> memref<1x800x32xf32, #tpu.memory_space<vmem>>
      %dma_start3A_243 = tpu.memref_squeeze %dma_start3A_242 : memref<1x800x32xf32, #tpu.memory_space<vmem>> -> memref<800x32xf32, #tpu.memory_space<vmem>>
      %dma_start3A_244 = arith.constant 0 : i32
      %dma_start3A_245 = tpu.memref_slice %arg7[%dma_start3A_238, %dma_start3A_244] : memref<2x800xi32, #tpu.memory_space<vmem>> -> memref<1x800xi32, #tpu.memory_space<vmem>>
      %dma_start3A_246 = tpu.memref_squeeze %dma_start3A_245 : memref<1x800xi32, #tpu.memory_space<vmem>> -> memref<800xi32, #tpu.memory_space<vmem>>
      %dma_start3A_247 = arith.constant 0 : i32
      %dma_start3A_248 = arith.constant 0 : i32
      %dma_start3A_249 = tpu.memref_slice %arg2[%dma_start3A_247, %dma_start3A_248] : memref<1000000x32xf32, #tpu.memory_space<hbm>> -> memref<1000000x32xf32, #tpu.memory_space<hbm>>
      tpu.enqueue_indirect_dma source(%dma_start3A_249 : memref<1000000x32xf32, #tpu.memory_space<hbm>>) target(%dma_start3A_243 : memref<800x32xf32, #tpu.memory_space<vmem>>) offsets(%dma_start3A_246 : memref<800xi32, #tpu.memory_space<vmem>>) semaphore(%arg14 : memref<!tpu.dma_semaphore, #tpu.memory_space<semaphore_mem>>)
      %dma_start3A_250 = arith.constant 1 : i32
      %dma_start3A_251 = arith.constant 1 : i32
      %dma_start3A_252 = arith.constant 0 : i32
      %dma_start3A_253 = arith.constant 0 : i32
      %dma_start3A_254 = tpu.memref_slice %arg10[%dma_start3A_251, %dma_start3A_252, %dma_start3A_253] : memref<2x800x32xf32, #tpu.memory_space<vmem>> -> memref<1x800x32xf32, #tpu.memory_space<vmem>>
      %dma_start3A_255 = tpu.memref_squeeze %dma_start3A_254 : memref<1x800x32xf32, #tpu.memory_space<vmem>> -> memref<800x32xf32, #tpu.memory_space<vmem>>
      %dma_start3A_256 = arith.constant 0 : i32
      %dma_start3A_257 = tpu.memref_slice %arg8[%dma_start3A_250, %dma_start3A_256] : memref<2x800xi32, #tpu.memory_space<vmem>> -> memref<1x800xi32, #tpu.memory_space<vmem>>
      %dma_start3A_258 = tpu.memref_squeeze %dma_start3A_257 : memref<1x800xi32, #tpu.memory_space<vmem>> -> memref<800xi32, #tpu.memory_space<vmem>>
      %dma_start3A_259 = arith.constant 0 : i32
      %dma_start3A_260 = arith.constant 0 : i32
      %dma_start3A_261 = tpu.memref_slice %arg3[%dma_start3A_259, %dma_start3A_260] : memref<100000x32xf32, #tpu.memory_space<hbm>> -> memref<100000x32xf32, #tpu.memory_space<hbm>>
      tpu.enqueue_indirect_dma source(%dma_start3A_261 : memref<100000x32xf32, #tpu.memory_space<hbm>>) target(%dma_start3A_255 : memref<800x32xf32, #tpu.memory_space<vmem>>) offsets(%dma_start3A_258 : memref<800xi32, #tpu.memory_space<vmem>>) semaphore(%arg14 : memref<!tpu.dma_semaphore, #tpu.memory_space<semaphore_mem>>)
      %add3A_262 = arith.constant 1 : i32
      %add3A_263 = arith.addi %add3A_211, %add3A_262 : i32
      %lt3A_264 = arith.constant 32 : i32
      %lt3A_265 = arith.cmpi slt, %add3A_263, %lt3A_264 : i32
      %convert_element_type3A_266 = arith.extui %lt3A_265 : i1 to i32
      %cond3A_267 = arith.constant 0 : i32
      %cond3A_268 = arith.cmpi ne, %convert_element_type3A_266, %cond3A_267 : i32
      scf.if %cond3A_268 {
        %add3A_328 = arith.constant 1 : i32
        %add3A_329 = arith.addi %add3A_211, %add3A_328 : i32
        %mul3A_330 = arith.constant 800 : i32
        %mul3A_331 = arith.muli %add3A_329, %mul3A_330 : i32
        %add3A_332 = arith.addi %mul3A_2, %mul3A_331 : i32
        %dma_start3A_333 = arith.constant 0 : i32
        %dma_start3A_334 = arith.constant 0 : i32
        %dma_start3A_335 = tpu.memref_slice %arg7[%dma_start3A_333, %dma_start3A_334] : memref<2x800xi32, #tpu.memory_space<vmem>> -> memref<1x800xi32, #tpu.memory_space<vmem>>
        %dma_start3A_336 = tpu.memref_squeeze %dma_start3A_335 : memref<1x800xi32, #tpu.memory_space<vmem>> -> memref<800xi32, #tpu.memory_space<vmem>>
        %dma_start3A_337 = tpu.memref_slice %arg4[%add3A_332] : memref<819200xi32, #tpu.memory_space<hbm>> -> memref<800xi32, #tpu.memory_space<hbm>>
        %dma_start3A_338 = arith.constant 0 : i32
        %dma_start3A_339 = tpu.memref_slice %arg7[%dma_start3A_333, %dma_start3A_338] : memref<2x800xi32, #tpu.memory_space<vmem>> -> memref<1x800xi32, #tpu.memory_space<vmem>>
        %dma_start3A_340 = tpu.memref_squeeze %dma_start3A_339 : memref<1x800xi32, #tpu.memory_space<vmem>> -> memref<800xi32, #tpu.memory_space<vmem>>
        %dma_start3A_341 = tpu.memref_slice %arg4[%add3A_332] : memref<819200xi32, #tpu.memory_space<hbm>> -> memref<800xi32, #tpu.memory_space<hbm>>
        tpu.enqueue_dma source(%dma_start3A_341 : memref<800xi32, #tpu.memory_space<hbm>>) target(%dma_start3A_340 : memref<800xi32, #tpu.memory_space<vmem>>) target_semaphore(%arg11 : memref<!tpu.dma_semaphore, #tpu.memory_space<semaphore_mem>>)
        %dma_start3A_342 = arith.constant 0 : i32
        %dma_start3A_343 = arith.constant 0 : i32
        %dma_start3A_344 = tpu.memref_slice %arg8[%dma_start3A_342, %dma_start3A_343] : memref<2x800xi32, #tpu.memory_space<vmem>> -> memref<1x800xi32, #tpu.memory_space<vmem>>
        %dma_start3A_345 = tpu.memref_squeeze %dma_start3A_344 : memref<1x800xi32, #tpu.memory_space<vmem>> -> memref<800xi32, #tpu.memory_space<vmem>>
        %dma_start3A_346 = tpu.memref_slice %arg5[%add3A_332] : memref<819200xi32, #tpu.memory_space<hbm>> -> memref<800xi32, #tpu.memory_space<hbm>>
        %dma_start3A_347 = arith.constant 0 : i32
        %dma_start3A_348 = tpu.memref_slice %arg8[%dma_start3A_342, %dma_start3A_347] : memref<2x800xi32, #tpu.memory_space<vmem>> -> memref<1x800xi32, #tpu.memory_space<vmem>>
        %dma_start3A_349 = tpu.memref_squeeze %dma_start3A_348 : memref<1x800xi32, #tpu.memory_space<vmem>> -> memref<800xi32, #tpu.memory_space<vmem>>
        %dma_start3A_350 = tpu.memref_slice %arg5[%add3A_332] : memref<819200xi32, #tpu.memory_space<hbm>> -> memref<800xi32, #tpu.memory_space<hbm>>
        tpu.enqueue_dma source(%dma_start3A_350 : memref<800xi32, #tpu.memory_space<hbm>>) target(%dma_start3A_349 : memref<800xi32, #tpu.memory_space<vmem>>) target_semaphore(%arg11 : memref<!tpu.dma_semaphore, #tpu.memory_space<semaphore_mem>>)
      } else {
      }
      %dma_wait3A_269 = arith.constant 1 : i32
      %dma_wait3A_270 = arith.constant 1 : i32
      %dma_wait3A_271 = arith.constant 0 : i32
      %dma_wait3A_272 = arith.constant 0 : i32
      %dma_wait3A_273 = tpu.memref_slice %arg9[%dma_wait3A_270, %dma_wait3A_271, %dma_wait3A_272] : memref<2x800x32xf32, #tpu.memory_space<vmem>> -> memref<1x800x32xf32, #tpu.memory_space<vmem>>
      %dma_wait3A_274 = tpu.memref_squeeze %dma_wait3A_273 : memref<1x800x32xf32, #tpu.memory_space<vmem>> -> memref<800x32xf32, #tpu.memory_space<vmem>>
      %dma_wait3A_275 = arith.constant 0 : i32
      %dma_wait3A_276 = tpu.memref_slice %arg7[%dma_wait3A_269, %dma_wait3A_275] : memref<2x800xi32, #tpu.memory_space<vmem>> -> memref<1x800xi32, #tpu.memory_space<vmem>>
      %dma_wait3A_277 = tpu.memref_squeeze %dma_wait3A_276 : memref<1x800xi32, #tpu.memory_space<vmem>> -> memref<800xi32, #tpu.memory_space<vmem>>
      %dma_wait3A_278 = arith.constant 0 : i32
      %dma_wait3A_279 = arith.constant 0 : i32
      %dma_wait3A_280 = tpu.memref_slice %arg2[%dma_wait3A_278, %dma_wait3A_279] : memref<1000000x32xf32, #tpu.memory_space<hbm>> -> memref<1000000x32xf32, #tpu.memory_space<hbm>>
      tpu.wait_indirect_dma semaphore(%arg14 : memref<!tpu.dma_semaphore, #tpu.memory_space<semaphore_mem>>) src(%dma_wait3A_280 : memref<1000000x32xf32, #tpu.memory_space<hbm>>) dst(%dma_wait3A_274 : memref<800x32xf32, #tpu.memory_space<vmem>>)
      %dma_wait3A_281 = arith.constant 1 : i32
      %dma_wait3A_282 = arith.constant 1 : i32
      %dma_wait3A_283 = arith.constant 0 : i32
      %dma_wait3A_284 = arith.constant 0 : i32
      %dma_wait3A_285 = tpu.memref_slice %arg10[%dma_wait3A_282, %dma_wait3A_283, %dma_wait3A_284] : memref<2x800x32xf32, #tpu.memory_space<vmem>> -> memref<1x800x32xf32, #tpu.memory_space<vmem>>
      %dma_wait3A_286 = tpu.memref_squeeze %dma_wait3A_285 : memref<1x800x32xf32, #tpu.memory_space<vmem>> -> memref<800x32xf32, #tpu.memory_space<vmem>>
      %dma_wait3A_287 = arith.constant 0 : i32
      %dma_wait3A_288 = tpu.memref_slice %arg8[%dma_wait3A_281, %dma_wait3A_287] : memref<2x800xi32, #tpu.memory_space<vmem>> -> memref<1x800xi32, #tpu.memory_space<vmem>>
      %dma_wait3A_289 = tpu.memref_squeeze %dma_wait3A_288 : memref<1x800xi32, #tpu.memory_space<vmem>> -> memref<800xi32, #tpu.memory_space<vmem>>
      %dma_wait3A_290 = arith.constant 0 : i32
      %dma_wait3A_291 = arith.constant 0 : i32
      %dma_wait3A_292 = tpu.memref_slice %arg3[%dma_wait3A_290, %dma_wait3A_291] : memref<100000x32xf32, #tpu.memory_space<hbm>> -> memref<100000x32xf32, #tpu.memory_space<hbm>>
      tpu.wait_indirect_dma semaphore(%arg14 : memref<!tpu.dma_semaphore, #tpu.memory_space<semaphore_mem>>) src(%dma_wait3A_292 : memref<100000x32xf32, #tpu.memory_space<hbm>>) dst(%dma_wait3A_286 : memref<800x32xf32, #tpu.memory_space<vmem>>)
      %mul3A_293 = arith.constant 800 : i32
      %mul3A_294 = arith.muli %add3A_211, %mul3A_293 : i32
      %add3A_295 = arith.addi %mul3A_2, %mul3A_294 : i32
      %dma_start3A_296 = arith.constant 1 : i32
      %dma_start3A_297 = arith.constant 0 : i32
      %dma_start3A_298 = arith.constant 0 : i32
      %dma_start3A_299 = arith.constant 0 : i32
      %dma_start3A_300 = tpu.memref_slice %arg9[%dma_start3A_296, %dma_start3A_298, %dma_start3A_299] : memref<2x800x32xf32, #tpu.memory_space<vmem>> -> memref<1x800x32xf32, #tpu.memory_space<vmem>>
      %dma_start3A_301 = tpu.memref_squeeze %dma_start3A_300 : memref<1x800x32xf32, #tpu.memory_space<vmem>> -> memref<800x32xf32, #tpu.memory_space<vmem>>
      %dma_start3A_302 = arith.constant 0 : i32
      %dma_start3A_303 = tpu.memref_slice %arg6[%add3A_295, %dma_start3A_297, %dma_start3A_302] : memref<819200x2x32xf32, #tpu.memory_space<hbm>> -> memref<800x1x32xf32, #tpu.memory_space<hbm>>
      %dma_start3A_304 = tpu.memref_squeeze %dma_start3A_303 : memref<800x1x32xf32, #tpu.memory_space<hbm>> -> memref<800x32xf32, #tpu.memory_space<hbm>>
      %dma_start3A_305 = arith.constant 0 : i32
      %dma_start3A_306 = tpu.memref_slice %arg6[%add3A_295, %dma_start3A_297, %dma_start3A_305] : memref<819200x2x32xf32, #tpu.memory_space<hbm>> -> memref<800x1x32xf32, #tpu.memory_space<hbm>>
      %dma_start3A_307 = tpu.memref_squeeze %dma_start3A_306 : memref<800x1x32xf32, #tpu.memory_space<hbm>> -> memref<800x32xf32, #tpu.memory_space<hbm>>
      %dma_start3A_308 = arith.constant 0 : i32
      %dma_start3A_309 = arith.constant 0 : i32
      %dma_start3A_310 = tpu.memref_slice %arg9[%dma_start3A_296, %dma_start3A_308, %dma_start3A_309] : memref<2x800x32xf32, #tpu.memory_space<vmem>> -> memref<1x800x32xf32, #tpu.memory_space<vmem>>
      %dma_start3A_311 = tpu.memref_squeeze %dma_start3A_310 : memref<1x800x32xf32, #tpu.memory_space<vmem>> -> memref<800x32xf32, #tpu.memory_space<vmem>>
      tpu.enqueue_dma source(%dma_start3A_311 : memref<800x32xf32, #tpu.memory_space<vmem>>) target(%dma_start3A_307 : memref<800x32xf32, #tpu.memory_space<hbm>>) target_semaphore(%arg16 : memref<!tpu.dma_semaphore, #tpu.memory_space<semaphore_mem>>)
      %dma_start3A_312 = arith.constant 1 : i32
      %dma_start3A_313 = arith.constant 1 : i32
      %dma_start3A_314 = arith.constant 0 : i32
      %dma_start3A_315 = arith.constant 0 : i32
      %dma_start3A_316 = tpu.memref_slice %arg10[%dma_start3A_312, %dma_start3A_314, %dma_start3A_315] : memref<2x800x32xf32, #tpu.memory_space<vmem>> -> memref<1x800x32xf32, #tpu.memory_space<vmem>>
      %dma_start3A_317 = tpu.memref_squeeze %dma_start3A_316 : memref<1x800x32xf32, #tpu.memory_space<vmem>> -> memref<800x32xf32, #tpu.memory_space<vmem>>
      %dma_start3A_318 = arith.constant 0 : i32
      %dma_start3A_319 = tpu.memref_slice %arg6[%add3A_295, %dma_start3A_313, %dma_start3A_318] : memref<819200x2x32xf32, #tpu.memory_space<hbm>> -> memref<800x1x32xf32, #tpu.memory_space<hbm>>
      %dma_start3A_320 = tpu.memref_squeeze %dma_start3A_319 : memref<800x1x32xf32, #tpu.memory_space<hbm>> -> memref<800x32xf32, #tpu.memory_space<hbm>>
      %dma_start3A_321 = arith.constant 0 : i32
      %dma_start3A_322 = tpu.memref_slice %arg6[%add3A_295, %dma_start3A_313, %dma_start3A_321] : memref<819200x2x32xf32, #tpu.memory_space<hbm>> -> memref<800x1x32xf32, #tpu.memory_space<hbm>>
      %dma_start3A_323 = tpu.memref_squeeze %dma_start3A_322 : memref<800x1x32xf32, #tpu.memory_space<hbm>> -> memref<800x32xf32, #tpu.memory_space<hbm>>
      %dma_start3A_324 = arith.constant 0 : i32
      %dma_start3A_325 = arith.constant 0 : i32
      %dma_start3A_326 = tpu.memref_slice %arg10[%dma_start3A_312, %dma_start3A_324, %dma_start3A_325] : memref<2x800x32xf32, #tpu.memory_space<vmem>> -> memref<1x800x32xf32, #tpu.memory_space<vmem>>
      %dma_start3A_327 = tpu.memref_squeeze %dma_start3A_326 : memref<1x800x32xf32, #tpu.memory_space<vmem>> -> memref<800x32xf32, #tpu.memory_space<vmem>>
      tpu.enqueue_dma source(%dma_start3A_327 : memref<800x32xf32, #tpu.memory_space<vmem>>) target(%dma_start3A_323 : memref<800x32xf32, #tpu.memory_space<hbm>>) target_semaphore(%arg16 : memref<!tpu.dma_semaphore, #tpu.memory_space<semaphore_mem>>)
    }
    %scan3A_25 = arith.constant 16 : i32
    %add3A_26 = arith.constant 24000 : i32
    %add3A_27 = arith.addi %mul3A_2, %add3A_26 : i32
    %dma_wait3A = arith.constant 0 : i32
    %dma_wait3A_28 = arith.constant 0 : i32
    %dma_wait3A_29 = arith.constant 0 : i32
    %dma_wait3A_30 = arith.constant 0 : i32
    %dma_wait3A_31 = tpu.memref_slice %arg9[%dma_wait3A, %dma_wait3A_29, %dma_wait3A_30] : memref<2x800x32xf32, #tpu.memory_space<vmem>> -> memref<1x800x32xf32, #tpu.memory_space<vmem>>
    %dma_wait3A_32 = tpu.memref_squeeze %dma_wait3A_31 : memref<1x800x32xf32, #tpu.memory_space<vmem>> -> memref<800x32xf32, #tpu.memory_space<vmem>>
    %dma_wait3A_33 = arith.constant 0 : i32
    %dma_wait3A_34 = tpu.memref_slice %arg6[%add3A_27, %dma_wait3A_28, %dma_wait3A_33] : memref<819200x2x32xf32, #tpu.memory_space<hbm>> -> memref<800x1x32xf32, #tpu.memory_space<hbm>>
    %dma_wait3A_35 = tpu.memref_squeeze %dma_wait3A_34 : memref<800x1x32xf32, #tpu.memory_space<hbm>> -> memref<800x32xf32, #tpu.memory_space<hbm>>
    %dma_wait3A_36 = arith.constant 0 : i32
    %dma_wait3A_37 = tpu.memref_slice %arg6[%add3A_27, %dma_wait3A_28, %dma_wait3A_36] : memref<819200x2x32xf32, #tpu.memory_space<hbm>> -> memref<800x1x32xf32, #tpu.memory_space<hbm>>
    %dma_wait3A_38 = tpu.memref_squeeze %dma_wait3A_37 : memref<800x1x32xf32, #tpu.memory_space<hbm>> -> memref<800x32xf32, #tpu.memory_space<hbm>>
    %dma_wait3A_39 = arith.constant 0 : i32
    %dma_wait3A_40 = arith.constant 0 : i32
    %dma_wait3A_41 = tpu.memref_slice %arg9[%dma_wait3A, %dma_wait3A_39, %dma_wait3A_40] : memref<2x800x32xf32, #tpu.memory_space<vmem>> -> memref<1x800x32xf32, #tpu.memory_space<vmem>>
    %dma_wait3A_42 = tpu.memref_squeeze %dma_wait3A_41 : memref<1x800x32xf32, #tpu.memory_space<vmem>> -> memref<800x32xf32, #tpu.memory_space<vmem>>
    tpu.wait_dma2 semaphore(%arg15 : memref<!tpu.dma_semaphore, #tpu.memory_space<semaphore_mem>>) src(%dma_wait3A_42 : memref<800x32xf32, #tpu.memory_space<vmem>>) dst(%dma_wait3A_38 : memref<800x32xf32, #tpu.memory_space<hbm>>)
    %dma_wait3A_43 = arith.constant 0 : i32
    %dma_wait3A_44 = arith.constant 1 : i32
    %dma_wait3A_45 = arith.constant 0 : i32
    %dma_wait3A_46 = arith.constant 0 : i32
    %dma_wait3A_47 = tpu.memref_slice %arg10[%dma_wait3A_43, %dma_wait3A_45, %dma_wait3A_46] : memref<2x800x32xf32, #tpu.memory_space<vmem>> -> memref<1x800x32xf32, #tpu.memory_space<vmem>>
    %dma_wait3A_48 = tpu.memref_squeeze %dma_wait3A_47 : memref<1x800x32xf32, #tpu.memory_space<vmem>> -> memref<800x32xf32, #tpu.memory_space<vmem>>
    %dma_wait3A_49 = arith.constant 0 : i32
    %dma_wait3A_50 = tpu.memref_slice %arg6[%add3A_27, %dma_wait3A_44, %dma_wait3A_49] : memref<819200x2x32xf32, #tpu.memory_space<hbm>> -> memref<800x1x32xf32, #tpu.memory_space<hbm>>
    %dma_wait3A_51 = tpu.memref_squeeze %dma_wait3A_50 : memref<800x1x32xf32, #tpu.memory_space<hbm>> -> memref<800x32xf32, #tpu.memory_space<hbm>>
    %dma_wait3A_52 = arith.constant 0 : i32
    %dma_wait3A_53 = tpu.memref_slice %arg6[%add3A_27, %dma_wait3A_44, %dma_wait3A_52] : memref<819200x2x32xf32, #tpu.memory_space<hbm>> -> memref<800x1x32xf32, #tpu.memory_space<hbm>>
    %dma_wait3A_54 = tpu.memref_squeeze %dma_wait3A_53 : memref<800x1x32xf32, #tpu.memory_space<hbm>> -> memref<800x32xf32, #tpu.memory_space<hbm>>
    %dma_wait3A_55 = arith.constant 0 : i32
    %dma_wait3A_56 = arith.constant 0 : i32
    %dma_wait3A_57 = tpu.memref_slice %arg10[%dma_wait3A_43, %dma_wait3A_55, %dma_wait3A_56] : memref<2x800x32xf32, #tpu.memory_space<vmem>> -> memref<1x800x32xf32, #tpu.memory_space<vmem>>
    %dma_wait3A_58 = tpu.memref_squeeze %dma_wait3A_57 : memref<1x800x32xf32, #tpu.memory_space<vmem>> -> memref<800x32xf32, #tpu.memory_space<vmem>>
    tpu.wait_dma2 semaphore(%arg15 : memref<!tpu.dma_semaphore, #tpu.memory_space<semaphore_mem>>) src(%dma_wait3A_58 : memref<800x32xf32, #tpu.memory_space<vmem>>) dst(%dma_wait3A_54 : memref<800x32xf32, #tpu.memory_space<hbm>>)
    %add3A_59 = arith.constant 24800 : i32
    %add3A_60 = arith.addi %mul3A_2, %add3A_59 : i32
    %dma_wait3A_61 = arith.constant 1 : i32
    %dma_wait3A_62 = arith.constant 0 : i32
    %dma_wait3A_63 = arith.constant 0 : i32
    %dma_wait3A_64 = arith.constant 0 : i32
    %dma_wait3A_65 = tpu.memref_slice %arg9[%dma_wait3A_61, %dma_wait3A_63, %dma_wait3A_64] : memref<2x800x32xf32, #tpu.memory_space<vmem>> -> memref<1x800x32xf32, #tpu.memory_space<vmem>>
    %dma_wait3A_66 = tpu.memref_squeeze %dma_wait3A_65 : memref<1x800x32xf32, #tpu.memory_space<vmem>> -> memref<800x32xf32, #tpu.memory_space<vmem>>
    %dma_wait3A_67 = arith.constant 0 : i32
    %dma_wait3A_68 = tpu.memref_slice %arg6[%add3A_60, %dma_wait3A_62, %dma_wait3A_67] : memref<819200x2x32xf32, #tpu.memory_space<hbm>> -> memref<800x1x32xf32, #tpu.memory_space<hbm>>
    %dma_wait3A_69 = tpu.memref_squeeze %dma_wait3A_68 : memref<800x1x32xf32, #tpu.memory_space<hbm>> -> memref<800x32xf32, #tpu.memory_space<hbm>>
    %dma_wait3A_70 = arith.constant 0 : i32
    %dma_wait3A_71 = tpu.memref_slice %arg6[%add3A_60, %dma_wait3A_62, %dma_wait3A_70] : memref<819200x2x32xf32, #tpu.memory_space<hbm>> -> memref<800x1x32xf32, #tpu.memory_space<hbm>>
    %dma_wait3A_72 = tpu.memref_squeeze %dma_wait3A_71 : memref<800x1x32xf32, #tpu.memory_space<hbm>> -> memref<800x32xf32, #tpu.memory_space<hbm>>
    %dma_wait3A_73 = arith.constant 0 : i32
    %dma_wait3A_74 = arith.constant 0 : i32
    %dma_wait3A_75 = tpu.memref_slice %arg9[%dma_wait3A_61, %dma_wait3A_73, %dma_wait3A_74] : memref<2x800x32xf32, #tpu.memory_space<vmem>> -> memref<1x800x32xf32, #tpu.memory_space<vmem>>
    %dma_wait3A_76 = tpu.memref_squeeze %dma_wait3A_75 : memref<1x800x32xf32, #tpu.memory_space<vmem>> -> memref<800x32xf32, #tpu.memory_space<vmem>>
    tpu.wait_dma2 semaphore(%arg16 : memref<!tpu.dma_semaphore, #tpu.memory_space<semaphore_mem>>) src(%dma_wait3A_76 : memref<800x32xf32, #tpu.memory_space<vmem>>) dst(%dma_wait3A_72 : memref<800x32xf32, #tpu.memory_space<hbm>>)
    %dma_wait3A_77 = arith.constant 1 : i32
    %dma_wait3A_78 = arith.constant 1 : i32
    %dma_wait3A_79 = arith.constant 0 : i32
    %dma_wait3A_80 = arith.constant 0 : i32
    %dma_wait3A_81 = tpu.memref_slice %arg10[%dma_wait3A_77, %dma_wait3A_79, %dma_wait3A_80] : memref<2x800x32xf32, #tpu.memory_space<vmem>> -> memref<1x800x32xf32, #tpu.memory_space<vmem>>
    %dma_wait3A_82 = tpu.memref_squeeze %dma_wait3A_81 : memref<1x800x32xf32, #tpu.memory_space<vmem>> -> memref<800x32xf32, #tpu.memory_space<vmem>>
    %dma_wait3A_83 = arith.constant 0 : i32
    %dma_wait3A_84 = tpu.memref_slice %arg6[%add3A_60, %dma_wait3A_78, %dma_wait3A_83] : memref<819200x2x32xf32, #tpu.memory_space<hbm>> -> memref<800x1x32xf32, #tpu.memory_space<hbm>>
    %dma_wait3A_85 = tpu.memref_squeeze %dma_wait3A_84 : memref<800x1x32xf32, #tpu.memory_space<hbm>> -> memref<800x32xf32, #tpu.memory_space<hbm>>
    %dma_wait3A_86 = arith.constant 0 : i32
    %dma_wait3A_87 = tpu.memref_slice %arg6[%add3A_60, %dma_wait3A_78, %dma_wait3A_86] : memref<819200x2x32xf32, #tpu.memory_space<hbm>> -> memref<800x1x32xf32, #tpu.memory_space<hbm>>
    %dma_wait3A_88 = tpu.memref_squeeze %dma_wait3A_87 : memref<800x1x32xf32, #tpu.memory_space<hbm>> -> memref<800x32xf32, #tpu.memory_space<hbm>>
    %dma_wait3A_89 = arith.constant 0 : i32
    %dma_wait3A_90 = arith.constant 0 : i32
    %dma_wait3A_91 = tpu.memref_slice %arg10[%dma_wait3A_77, %dma_wait3A_89, %dma_wait3A_90] : memref<2x800x32xf32, #tpu.memory_space<vmem>> -> memref<1x800x32xf32, #tpu.memory_space<vmem>>
    %dma_wait3A_92 = tpu.memref_squeeze %dma_wait3A_91 : memref<1x800x32xf32, #tpu.memory_space<vmem>> -> memref<800x32xf32, #tpu.memory_space<vmem>>
    tpu.wait_dma2 semaphore(%arg16 : memref<!tpu.dma_semaphore, #tpu.memory_space<semaphore_mem>>) src(%dma_wait3A_92 : memref<800x32xf32, #tpu.memory_space<vmem>>) dst(%dma_wait3A_88 : memref<800x32xf32, #tpu.memory_space<hbm>>)
    return
  }
}

</mosaic_0001>

<sc_bundles>
// kernel: kernel.3.cloned.1.call-start
scs
__scs_entry_jumppad:
0x0: {  	(pc) =	sbr.rel $0x88, $3  }
0x1: {  	(tag) =	ssettag $0x0;
	lr =	simm.s32 $0x1  }
0x2: {  	[smem:$0x3F9D] =	sst lr;
	_ =	strace $0xD0000000  }
0x3: {  	_ = 	snop  }
0x4: {  	_ = 	snop  }
0x5: {  	_ = 	snop  }
0x6: {  	_ = 	snop  }
0x7: {  	_ = 	snop  }
__scs_overlays_trampoline_lowered:
0x8: {  	[smem:$0x3FAC] =	sst s0  }
0x9: {  	[smem:$0x3FAD] =	sst s1  }
0xa: {  	[smem:$0x3FAE] =	sst s2  }
0xb: {  	[smem:$0x3FAF] =	sst s3  }
0xc: {  	[smem:$0x3FB0] =	sst s4  }
0xd: {  	[smem:$0x3FB1] =	sst s5  }
0xe: {  	[smem:$0x3FB2] =	sst s6  }
0xf: {  	[smem:$0x3FB3] =	sst s7  }
0x10: {  	[smem:$0x3FB4] =	sst s8  }
0x11: {  	[smem:$0x3FB5] =	sst s9;
	s0 =	simm.s32 @!p0 $0x0  }
0x12: {  	s1 =	sld [smem:$0x3F9B];
	s0 =	simm.s32 @p0 $0x1  }
0x13: {  	[smem:$0x3FB6] =	sst s0;
	s0 =	simm.s32 @!p1 $0x0  }
0x14: {  	s2 =	sld [smem:$0x3F9A];
	s0 =	simm.s32 @p1 $0x1  }
0x15: {  	[smem:$0x3FB7] =	sst s0;
	s0 =	simm.s32 @!p2 $0x0  }
0x16: {  	s3 =	sld [smem:$0x3FDB];
	s0 =	simm.s32 @p2 $0x1  }
0x17: {  	s4 =	simm.s32 $0x1BF5;
	[smem:$0x3FB9] =	sst s0  }
0x18: {  	s0 =	sld [smem:$0x3F9C];
	_ =	swait.ge [sflag:s4], $0x0  }
0x19: {  	s7 =	sld [smem:$0x3F9D]  }
0x1a: {  	s8 =	sadd.s32 $0xFFFFE003, lr  }
0x1b: {  	s9 =	sadd.s32 $0xFFFFFEF7, lr;
	s5 =	simm.s32 $0xFFFFFFFF;
	p2 =	slt.u32 s8, $0xFFFFF086  }
0x1c: {  	p1 =	slt.u32 s9, $0xF7A;
	s5 =	simm.s32 @!p2 $0x0  }
0x1d: {  	s5 =	simm.s32 @p1 $0x1;
	p0 =	seq.s32 s7, s2  }
0x1e: {  	s7 =	smul.u32 @!p0 $0xF7A, s2;
	p2 =	seq.s32 @!p0 s5, $0x0  }
0x1f: {  	s9 =	smul.u32 $0xF7A, s1;
	s8 =	simm.s32 @!p0 $0x1BF5;
	p2 =	por !p2, p0  }
0x20: {  	[sflag:s8] =	ssyncset.s32 @!p0 $0xFFFFF086;
	s6 =	sadd.s32 @!p0 s3, s7;
	s7 =	simm.s32 @!p0 $0x108  }
0x21: {  	s3 =	sadd.s32 s3, s9;
	s6 =	sadd.s32 @!p0 $0x88, s6;
	s7 =	simm.s32 @p2 $0x1082  }
0x22: {  	[simem:s7], [sflag:s8] =	dma.local @!p0 [hbm:s6], $0xF7A  }
0x23: {  	s9 =	sor.u32 $0xD0000000, s2;
	s6 =	simm.s32 $0x108;
	_ =	swait.ge @!p0 [sflag:s8], $0x0  }
0x24: {  	s3 =	sadd.s32 $0x88, s3;
	s6 =	simm.s32 @!p1 $0x1082;
	[sflag:s4] =	ssyncset.s32 $0xFFFFF086  }
0x25: {  	[simem:s6], [sflag:s4] =	dma.local [hbm:s3], $0xF7A  }
0x26: {  	[smem:$0x3F9D] =	sst s1;
	(tag) =	ssettag s2;
	_ =	strace s9  }
0x27: {  	s1 =	sld [smem:$0x3FAD]  }
0x28: {  	s2 =	sld [smem:$0x3FAE]  }
0x29: {  	s4 =	sld [smem:$0x3FB0]  }
0x2a: {  	p0 =	seq.s32 s5, $0x0;
	s5 =	sld [smem:$0x3FB1]  }
0x2b: {  	s6 =	sld [smem:$0x3FB2]  }
0x2c: {  	s7 =	sld [smem:$0x3FB3]  }
0x2d: {  	s3 =	simm.s32 $0x108;
	s8 =	sld [smem:$0x3FB4]  }
0x2e: {  	s3 =	simm.s32 @!p0 $0x1082;
	s9 =	sld [smem:$0x3FB5]  }
0x2f: {  	lr =	sadd.s32 s0, s3;
	s0 =	sld [smem:$0x3FAC]  }
0x30: {  	s3 =	sld [smem:$0x3FAF]  }
0x31: {  	[smem:$0x3FB8] =	sst s10  }
0x32: {  	s10 =	sld [smem:$0x3FB6];
	_ =	sdelay $0x3  }
0x33: {  	p0 =	seq.s32 s10, $0x1;
	s10 =	sld [smem:$0x3FB8];
	_ =	sdelay $0x3  }
0x34: {  	[smem:$0x3FB8] =	sst s10  }
0x35: {  	s10 =	sld [smem:$0x3FB7];
	_ =	sdelay $0x3  }
0x36: {  	p1 =	seq.s32 s10, $0x1;
	s10 =	sld [smem:$0x3FB8];
	_ =	sdelay $0x3  }
0x37: {  	[smem:$0x3FB8] =	sst s10  }
0x38: {  	s10 =	sld [smem:$0x3FB9]  }
0x39: {  	_ = 	snop;
	(pc) =	sbr.ind lr, $3  }
0x3a: {  	_ = 	snop  }
0x3b: {  	_ = 	snop  }
0x3c: {  	p2 =	seq.s32 s10, $0x1;
	s10 =	sld [smem:$0x3FB8]  }
0x3d: {  	_ =	shalt  }
0x3e: {  	_ =	shalt  }
0x3f: {  	_ =	shalt  }
0x40: {  	_ =	shalt  }
0x41: {  	_ =	shalt  }
0x42: {  	_ =	shalt  }
0x43: {  	_ =	shalt  }
0x44: {  	_ =	shalt  }
0x45: {  	_ =	shalt  }
0x46: {  	_ =	shalt  }
0x47: {  	_ =	shalt  }
0x48: {  	_ =	shalt  }
0x49: {  	_ =	shalt  }
0x4a: {  	_ =	shalt  }
0x4b: {  	_ =	shalt  }
0x4c: {  	_ =	shalt  }
0x4d: {  	_ =	shalt  }
0x4e: {  	_ =	shalt  }
0x4f: {  	_ =	shalt  }
0x50: {  	_ =	shalt  }
0x51: {  	_ =	shalt  }
0x52: {  	_ =	shalt  }
0x53: {  	_ =	shalt  }
0x54: {  	_ =	shalt  }
0x55: {  	_ =	shalt  }
0x56: {  	_ =	shalt  }
0x57: {  	_ =	shalt  }
0x58: {  	_ =	shalt  }
0x59: {  	_ =	shalt  }
0x5a: {  	_ =	shalt  }
0x5b: {  	_ =	shalt  }
0x5c: {  	_ =	shalt  }
0x5d: {  	_ =	shalt  }
0x5e: {  	_ =	shalt  }
0x5f: {  	_ =	shalt  }
0x60: {  	_ =	shalt  }
0x61: {  	_ =	shalt  }
0x62: {  	_ =	shalt  }
0x63: {  	_ =	shalt  }
0x64: {  	_ =	shalt  }
0x65: {  	_ =	shalt  }
0x66: {  	_ =	shalt  }
0x67: {  	_ =	shalt  }
0x68: {  	_ =	shalt  }
0x69: {  	_ =	shalt  }
0x6a: {  	_ =	shalt  }
0x6b: {  	_ =	shalt  }
0x6c: {  	_ =	shalt  }
0x6d: {  	_ =	shalt  }
0x6e: {  	_ =	shalt  }
0x6f: {  	_ =	shalt  }
0x70: {  	_ =	shalt  }
0x71: {  	_ =	shalt  }
0x72: {  	_ =	shalt  }
0x73: {  	_ =	shalt  }
0x74: {  	_ =	shalt  }
0x75: {  	_ =	shalt  }
0x76: {  	_ =	shalt  }
0x77: {  	_ =	shalt  }
0x78: {  	_ =	shalt  }
0x79: {  	_ =	shalt  }
0x7a: {  	_ =	shalt  }
0x7b: {  	_ =	shalt  }
0x7c: {  	_ =	shalt  }
0x7d: {  	_ =	shalt  }
0x7e: {  	_ =	shalt  }
0x7f: {  	_ =	shalt  }
0x80: {  	_ =	shalt  }
0x81: {  	_ =	shalt  }
0x82: {  	_ =	shalt  }
0x83: {  	_ =	shalt  }
0x84: {  	_ =	shalt  }
0x85: {  	_ =	shalt  }
0x86: {  	_ =	shalt  }
0x87: {  	_ =	shalt  }
.Lfunc_end0:
.L_simem_size_0:
called_computation.1_lowered:
.L_overlay_start_0:
0x88: {  	s2 =	sld [smem:$0x3FD9]  }
0x89: {  	s3 =	sld [smem:$0x3FFE];
	_ =	sdelay $0x1  }
0x8a: {  	s1 =	srdreg.scid  }
0x8b: {  	s0 =	sand.u32 $0x1, s1  }
0x8c: {  	s17 =	sshll.u32 s0, $0xA;
	s2 =	sadd.s32 s3, s2  }
0x8d: {  	s2 =	sadd.s32 s2, s17  }
0x8e: {  	[smem:$0x3FC4] =	sst s2  }
0x8f: {  	_ = 	snop  }
0x90: {  	s2 =	sld [smem:$0x3FD0];
	(tm) =	ssettm $0x1  }
0x91: {  	s18 =	sld [smem:$0x3FFB];
	_ =	sdelay $0x3  }
0x92: {  	_ =	strace s18  }
0x93: {  	s3 =	sld [smem:$0x3FFC];
	_ =	sdelay $0x3  }
0x94: {  	_ =	strace s3  }
0x95: {  	s3 =	sld [smem:$0x3FFD];
	_ =	sdelay $0x3  }
0x96: {  	_ =	strace s3  }
0x97: {  	_ =	strace $0x8FFFFFFF  }
0x98: {  	s19 =	sld [smem:$0x3FDB];
	_ =	sdelay $0x1  }
0x99: {  	s4 =	simm.s32 $_scs_section_size  }
0x9a: {  	s5 =	simm.s32 $_size__tile_overlayer_lowered;
	s6 =	simm.s32 $_tile_overlayer_lowered  }
0x9b: {  	s22 =	simm.s32 $0x1BFF;
	s21 =	sshll.u32 s6, $0x1;
	s3 =	sadd.s32 s4, s19  }
0x9c: {  	s7 =	simm.s32 $0x0;
	s20 =	sshll.u32 s5, $0x1;
	s5 =	sadd.s32 s21, s3  }
0x9d: {  	[timem:s7], [sflag:s22] =	dma.local [hbm:s5], s20  }
0x9e: {  	_ =	swait.ge [sflag:s22], s20  }
0x9f: {  	s4 =	ssub.s32 $0x0, s20;
	[sflag:s22] =	ssyncset.done $0x0  }
0xa0: {  	[sflag:s22] =	ssyncadd.s32 s4;
	_ =	sdelay $0x1  }
0xa1: {  	s23 =	simm.s32 $0x1B8B  }
0xa2: {  	_ =	swait.ge [sflag:s23], $0x1  }
0xa3: {  	[sflag:s23] =	ssyncset.done $0x0  }
0xa4: {  	s25 =	simm.s32 $0x1B8E;
	s24 =	sld [smem:$0x3FFE];
	[sflag:s23] =	ssyncadd.s32 $0xFFFFFFFF  }
0xa5: {  	s26 =	simm.s32 $execute0_lowered;
	[smem:$0x3FD2] =	sst s25  }
0xa6: {  	s5 =	sshll.u32 s26, $0x1;
	_ =	strace $0x80000046;
	[dreg:$0x1] =	wrdreg $0xFFFFFFFF  }
0xa7: {  	s28 =	simm.s32 $_size_execute0_lowered;
	s3 =	sadd.s32 s3, s5;
	[dreg:$0x0] =	wrdreg $0x0  }
0xa8: {  	s5 =	sshll.u32 s28, $0x1;
	[dreg:$0x2] =	wrdreg s3  }
0xa9: {  	[dreg:$0x3] =	wrdreg s5  }
0xaa: {  	[dreg:$0x4] =	wrdreg $0xC0  }
0xab: {  	_ =	task [dreg:s7], $0x5FFFF  }
0xac: {  	[dreg:$0x1] =	wrdreg $0xFFFFFFFF  }
0xad: {  	[dreg:$0x0] =	wrdreg $0x60  }
0xae: {  	[dreg:$0x2] =	wrdreg s24  }
0xaf: {  	[dreg:$0x3] =	wrdreg s2  }
0xb0: {  	[dreg:$0x4] =	wrdreg $0x9  }
0xb1: {  	_ =	task.clear_ibuf [dreg:s7], $0x5FFFF;
	_ =	strace $0x90000046  }
0xb2: {  	s29 =	simm.s32 $0x9;
	_ =	strace $0x80000048  }
0xb3: {  	_ =	swait.ge [sflag:s29], $0x1  }
0xb4: {  	[sflag:s29] =	ssyncadd.s32 $0xFFFFFFFF  }
0xb5: {  	_ =	strace $0x90000048  }
0xb6: {  	_ =	sfence  }
0xb7: {  	s30 =	sld [smem:$0x0];
	_ =	sdelay $0x2  }
0xb8: {  	s31 =	sshll.u32 s1, $0xD;
	s1 =	sshrl.u32 s1, $0x2  }
0xb9: {  	s3 =	sand.u32 $0x4000, s31;
	s1 =	sadd.s32 s1, s30  }
0xba: {  	s0 =	sor.u32 s3, s0;
	s1 =	sshll.u32 s1, $0x11  }
0xbb: {  	s0 =	sor.u32 s1, s0  }
0xbc: {  	s0 =	sadd.s32 $0x8F2B, s0  }
0xbd: {  	[sflag:s0] =	ssyncadd.remote.s32 $0x1  }
0xbe: {  	_ =	sfence.sel $0xFFFF  }
0xbf: {  	[dreg:$0x0] =	wrdreg $0xFFFFFFFF;
	(pc) =	sbr.abs _section_cstart, $3  }
0xc0: {  	[dreg:$0x1] =	wrdreg $0xFFFFFFFF  }
0xc1: {  	_ =	task.clear_ibuf [dreg:s7], $0x2FFFF;
	_ =	strace $0x9FFFFFFF  }
0xc2: {  	(tm) =	ssettm $0x7FFFFFFF  }
0xc3: {  	_ =	shalt  }
tec
execute0_lowered:
.L_overlay_start_1:
0x0: {  	(tag) =	ssettag $0x1  }
0x1: {  	s0 =	rddreg [dreg:$0x0]  }
0x2: {  	s1 =	rddreg [dreg:$0x1]  }
0x3: {  	s2 =	simm.s32 $0x0;
	s3 =	srdreg.scid;
	s13 =	stileid.u32  }
0x4: {  	s14 =	simm.s32 $0x1;
	s15 =	simm.s32 $0x320;
	s16 =	simm.s32 $0xC80  }
0x5: {  	s17 =	simm.s32 $0xD480;
	s18 =	simm.s32 $0x960;
	s19 =	simm.s32 $0x3  }
0x6: {  	s28 =	simm.s32 $0x6;
	s29 =	simm.s32 $0x0;
	[smem:$0x7FF] =	sst s2  }
0x7: {  	s7 =	sand.u32 $0x1, s3;
	s20 =	sshll.u32 s13, $0x1;
	s10 =	smul.u32 $0xC800, s13  }
0x8: {  	s3 =	sadd.s32 $0xFD7A00, s0;
	s5 =	sadd.s32 $0x1A00, s0;
	s22 =	smul.u32 $0x64000, s13  }
0x9: {  	s6 =	sadd.s32 $0x1AA00, s0;
	s13 =	simm.s32 $0x640;
	s12 =	smul.u32 $0x6400, s7  }
0xa: {  	s4 =	sor.u32 s7, s20;
	s9 =	ssub.s32 $0x2, s7;
	s7 =	smul.u32 $0x32000, s7  }
0xb: {  	_ =	strace $0x80000047;
	s20 =	simm.s32 $0x20;
	s8 =	smul.u32 $0x6400, s4  }
0xc: {  	s4 =	sadd.s32 $0x33A00, s0;
	s11 =	sshrl.u32 s9, $0x1;
	s1 =	sadd.s32 s22, s1  }
0xd: {  	s22 =	simm.s32 $0x2;
	s21 =	ssub.s32 s9, s11;
	s1 =	sadd.s32 s7, s1  }
0xe: {  	s10 =	sadd.s32 s12, s10;
	s0 =	smax.u32 s21, $0x1;
	[dreg:$0x3] =	wrdreg s1  }
0xf: {  	s8 =	sshrl.u32 s8, $0x3;
	s31 =	sadd.s32 $0x640, s10;
	[dreg:$0x6] =	wrdreg s0  }
0x10: {  	s24 =	sor.u32 $0x320, s10;
	s23 =	sadd.s32 s5, s8;
	[dreg:$0x9] =	wrdreg s31  }
0x11: {  	s8 =	sadd.s32 s6, s8;
	s25 =	sshrl.u32 s24, $0x3;
	[dreg:$0x4] =	wrdreg s23  }
0x12: {  	s21 =	simm.s32 $0x40;
	[dreg:$0x5] =	wrdreg s8;
	s26 =	sadd.s32 s25, s6  }
0x13: {  	s24 =	simm.s32 $0x13880;
	s30 =	sadd.s32 s25, s5;
	[dreg:$0x7] =	wrdreg s26  }
0x14: {  	s23 =	simm.s32 $0x7080;
	s25 =	simm.s32 $0x4;
	[dreg:$0x8] =	wrdreg s30  }
.LBB2_1:
0x15: {  	s0 =	rddreg [dreg:$0x4];
	p0 =	por $0x1, $0x1  }
0x16: {  	[tilespmem:s2], [sflag:$0x1] =	stream.linear.gather [hbm4b:s0+s2], $0x320, $0x38;
	[tilespmem:$0x19C80] =	vst v63  }
0x17: {  	p0 =	por p0, p0  }
0x18: {  	s11 =	rddreg [dreg:$0x5];
	s0 =	simm.s32 @!p0 $0x5  }
0x19: {  	[tilespmem:s13], [sflag:$0x1] =	stream.linear.gather [hbm4b:s11+s2], $0x320, $0x38;
	[tilespmem:$0x19C80] =	vst v63  }
0x1a: {  	_ =	swait.ge @!p0 [sflag:s0], $0x6400  }
0x1b: {  	[sflag:s0] =	ssyncset.done @!p0 $0x0  }
0x1c: {  	[sflag:s0] =	ssyncadd.s32 @!p0 $0xFFFF9C00  }
0x1d: {  	_ =	swait.ge @!p0 [sflag:s0], $0x6400  }
0x1e: {  	[sflag:s0] =	ssyncset.done @!p0 $0x0  }
0x1f: {  	[sflag:s0] =	ssyncadd.s32 @!p0 $0xFFFF9C00  }
0x20: {  	_ =	swait.ge [sflag:s14], $0x320  }
0x21: {  	[sflag:s14] =	ssyncset.done $0x0  }
0x22: {  	[sflag:s14] =	ssyncadd.s32 $0xFFFFFCE0  }
0x23: {  	_ =	swait.ge [sflag:s14], $0x320  }
0x24: {  	[sflag:s14] =	ssyncset.done $0x0  }
0x25: {  	[sflag:s14] =	ssyncadd.s32 $0xFFFFFCE0  }
0x26: {  	[tilespmem:s16], [sflag:$0x3] =	stream.indirect.gather [hbm4b:s3+s15], $0x20, s2, s15, $0xb8;
	[tilespmem:$0x19C80] =	vst v63  }
0x27: {  	_ = 	snop  }
0x28: {  	[tilespmem:s17], [sflag:$0x3] =	stream.indirect.gather [hbm4b:s4+s15], $0x20, s13, s15, $0xb8;
	[tilespmem:$0x19C80] =	vst v63  }
0x29: {  	s11 =	rddreg [dreg:$0x8]  }
0x2a: {  	[tilespmem:s15], [sflag:$0x2] =	stream.linear.gather [hbm4b:s11+s2], $0x320, $0x38;
	[tilespmem:$0x19C80] =	vst v63  }
0x2b: {  	s10 =	rddreg [dreg:$0x7]  }
0x2c: {  	[tilespmem:s18], [sflag:$0x2] =	stream.linear.gather [hbm4b:s10+s2], $0x320, $0x38;
	[tilespmem:$0x19C80] =	vst v63  }
0x2d: {  	_ =	swait.ge [sflag:s19], $0x6400  }
0x2e: {  	[sflag:s19] =	ssyncset.done $0x0  }
0x2f: {  	[sflag:s19] =	ssyncadd.s32 $0xFFFF9C00  }
0x30: {  	_ =	swait.ge [sflag:s19], $0x6400  }
0x31: {  	s12 =	rddreg [dreg:$0x3];
	[sflag:s19] =	ssyncset.done $0x0  }
0x32: {  	[sflag:s19] =	ssyncadd.s32 $0xFFFF9C00;
	s0 =	sadd.s32 $0x0, s12  }
0x33: {  	[hbm4b:s0+s20] =	stream.strided.scatter [tilespmem:s16], [sflag:$0x5], $0x6400, s21, s20, $0x38;
	[tilespmem:$0x19C80] =	vst v63  }
0x34: {  	s7 =	simm.s32 @!p0 $0x6;
	s1 =	sadd.s32 $0x4, s0  }
0x35: {  	[hbm4b:s1+s20] =	stream.strided.scatter [tilespmem:s17], [sflag:$0x5], $0x6400, s21, s20, $0x38;
	[tilespmem:$0x19C80] =	vst v63  }
0x36: {  	_ =	swait.ge @!p0 [sflag:s7], $0x6400  }
0x37: {  	[sflag:s7] =	ssyncset.done @!p0 $0x0  }
0x38: {  	[sflag:s7] =	ssyncadd.s32 @!p0 $0xFFFF9C00  }
0x39: {  	_ =	swait.ge @!p0 [sflag:s7], $0x6400  }
0x3a: {  	[sflag:s7] =	ssyncset.done @!p0 $0x0  }
0x3b: {  	[sflag:s7] =	ssyncadd.s32 @!p0 $0xFFFF9C00  }
0x3c: {  	_ =	swait.ge [sflag:s22], $0x320  }
0x3d: {  	[sflag:s22] =	ssyncset.done $0x0  }
0x3e: {  	[sflag:s22] =	ssyncadd.s32 $0xFFFFFCE0  }
0x3f: {  	_ =	swait.ge [sflag:s22], $0x320  }
0x40: {  	[sflag:s22] =	ssyncset.done $0x0  }
0x41: {  	p0 =	por $0x0, $0x0;
	s12 =	rddreg [dreg:$0x9];
	[sflag:s22] =	ssyncadd.s32 $0xFFFFFCE0  }
0x42: {  	[tilespmem:s23], [sflag:$0x4] =	stream.indirect.gather [hbm4b:s3+s15], $0x20, s15, s15, $0xb8;
	[tilespmem:$0x19C80] =	vst v63  }
0x43: {  	s1 =	sshrl.u32 @!p0 s12, $0x3  }
0x44: {  	[tilespmem:s24], [sflag:$0x4] =	stream.indirect.gather [hbm4b:s4+s15], $0x20, s18, s15, $0xb8;
	[tilespmem:$0x19C80] =	vst v63  }
0x45: {  	s7 =	simm.s32 @!p0 $0x0;
	s8 =	sadd.s32 @!p0 s5, s1  }
0x46: {  	[tilespmem:s7], [sflag:$0x1] =	stream.linear.gather @!p0 [hbm4b:s8+s7], $0x320, $0x38;
	[tilespmem:$0x19C80] =	vst v63  }
0x47: {  	s1 =	sadd.s32 @!p0 s6, s1;
	s8 =	simm.s32 @!p0 $0x640  }
0x48: {  	[tilespmem:s8], [sflag:$0x1] =	stream.linear.gather @!p0 [hbm4b:s1+s7], $0x320, $0x38;
	[tilespmem:$0x19C80] =	vst v63  }
0x49: {  	_ =	swait.ge [sflag:s25], $0x6400  }
0x4a: {  	s30 =	simm.s32 $0x3200;
	[sflag:s25] =	ssyncset.done $0x0  }
0x4b: {  	p6 =	por $0x0, $0x0;
	s26 =	sadd.s32 $0x1900, s0;
	[sflag:s25] =	ssyncadd.s32 $0xFFFF9C00  }
0x4c: {  	s9 =	sadd.s32 $0x1904, s0;
	s0 =	sadd.s32 $0xC8, s10;
	_ =	swait.ge [sflag:s25], $0x6400  }
0x4d: {  	s31 =	sadd.s32 $0x640, s12;
	s7 =	simm.s32 $0x6400;
	[sflag:s25] =	ssyncset.done $0x0  }
0x4e: {  	p0 =	por p6, p6;
	s1 =	sadd.s32 $0xC8, s11;
	[sflag:s25] =	ssyncadd.s32 $0xFFFF9C00  }
0x4f: {  	[hbm4b:s26+s20] =	stream.strided.scatter [tilespmem:s23], [sflag:$0x6], $0x6400, s21, s20, $0x38;
	[tilespmem:$0x19C80] =	vst v63  }
.LBB2_2:
0x50: {  	s10 =	simm.s32 @!p0 $0x5  }
0x51: {  	[hbm4b:s9+s20] =	stream.strided.scatter [tilespmem:s24], [sflag:$0x6], $0x6400, s21, s20, $0x38;
	[tilespmem:$0x19C80] =	vst v63  }
0x52: {  	_ =	swait.ge @!p0 [sflag:s10], $0x6400  }
0x53: {  	[sflag:s10] =	ssyncset.done @!p0 $0x0  }
0x54: {  	[sflag:s10] =	ssyncadd.s32 @!p0 $0xFFFF9C00  }
0x55: {  	_ =	swait.ge @!p0 [sflag:s10], $0x6400  }
0x56: {  	[sflag:s10] =	ssyncset.done @!p0 $0x0  }
0x57: {  	[sflag:s10] =	ssyncadd.s32 @!p0 $0xFFFF9C00  }
0x58: {  	_ =	swait.ge [sflag:s14], $0x320  }
0x59: {  	[sflag:s14] =	ssyncset.done $0x0  }
0x5a: {  	[sflag:s14] =	ssyncadd.s32 $0xFFFFFCE0  }
0x5b: {  	_ =	swait.ge [sflag:s14], $0x320  }
0x5c: {  	[sflag:s14] =	ssyncset.done $0x0  }
0x5d: {  	[sflag:s14] =	ssyncadd.s32 $0xFFFFFCE0  }
0x5e: {  	[tilespmem:s16], [sflag:$0x3] =	stream.indirect.gather [hbm4b:s3+s15], $0x20, s2, s15, $0xb8;
	[tilespmem:$0x19C80] =	vst v63  }
0x5f: {  	_ = 	snop  }
0x60: {  	[tilespmem:s17], [sflag:$0x3] =	stream.indirect.gather [hbm4b:s4+s15], $0x20, s13, s15, $0xb8;
	[tilespmem:$0x19C80] =	vst v63  }
0x61: {  	_ = 	snop  }
0x62: {  	[tilespmem:s15], [sflag:$0x2] =	stream.linear.gather [hbm4b:s1+s2], $0x320, $0x38;
	[tilespmem:$0x19C80] =	vst v63  }
0x63: {  	_ = 	snop  }
0x64: {  	[tilespmem:s18], [sflag:$0x2] =	stream.linear.gather [hbm4b:s0+s2], $0x320, $0x38;
	[tilespmem:$0x19C80] =	vst v63  }
0x65: {  	_ =	swait.ge [sflag:s19], $0x6400  }
0x66: {  	[sflag:s19] =	ssyncset.done $0x0  }
0x67: {  	[sflag:s19] =	ssyncadd.s32 $0xFFFF9C00  }
0x68: {  	_ =	swait.ge [sflag:s19], $0x6400  }
0x69: {  	s12 =	rddreg [dreg:$0x3];
	[sflag:s19] =	ssyncset.done $0x0  }
0x6a: {  	[sflag:s19] =	ssyncadd.s32 $0xFFFF9C00;
	s10 =	sadd.s32 s30, s12  }
0x6b: {  	[hbm4b:s10+s20] =	stream.strided.scatter [tilespmem:s16], [sflag:$0x5], $0x6400, s21, s20, $0x38;
	[tilespmem:$0x19C80] =	vst v63  }
0x6c: {  	s12 =	simm.s32 @!p0 $0x6;
	s11 =	sadd.s32 $0x4, s10  }
0x6d: {  	[hbm4b:s11+s20] =	stream.strided.scatter [tilespmem:s17], [sflag:$0x5], $0x6400, s21, s20, $0x38;
	[tilespmem:$0x19C80] =	vst v63  }
0x6e: {  	_ =	swait.ge @!p0 [sflag:s12], $0x6400  }
0x6f: {  	[sflag:s12] =	ssyncset.done @!p0 $0x0  }
0x70: {  	[sflag:s12] =	ssyncadd.s32 @!p0 $0xFFFF9C00  }
0x71: {  	_ =	swait.ge @!p0 [sflag:s12], $0x6400  }
0x72: {  	[sflag:s12] =	ssyncset.done @!p0 $0x0  }
0x73: {  	[sflag:s12] =	ssyncadd.s32 @!p0 $0xFFFF9C00  }
0x74: {  	_ =	swait.ge [sflag:s22], $0x320  }
0x75: {  	[sflag:s22] =	ssyncset.done $0x0  }
0x76: {  	[sflag:s22] =	ssyncadd.s32 $0xFFFFFCE0  }
0x77: {  	_ =	swait.ge [sflag:s22], $0x320  }
0x78: {  	p2 =	seq.s32 s7, $0x0;
	s8 =	smov.u32 s7;
	[sflag:s22] =	ssyncset.done $0x0  }
0x79: {  	p0 =	por p2, p2;
	p2 =	seq.s32 s30, $0x2EE00;
	[sflag:s22] =	ssyncadd.s32 $0xFFFFFCE0  }
0x7a: {  	[tilespmem:s23], [sflag:$0x4] =	stream.indirect.gather [hbm4b:s3+s15], $0x20, s15, s15, $0xb8;
	[tilespmem:$0x19C80] =	vst v63  }
0x7b: {  	s30 =	smov.u32 s8;
	s8 =	sshrl.u32 @!p2 s31, $0x3  }
0x7c: {  	[tilespmem:s24], [sflag:$0x4] =	stream.indirect.gather [hbm4b:s4+s15], $0x20, s18, s15, $0xb8;
	[tilespmem:$0x19C80] =	vst v63  }
0x7d: {  	s11 =	simm.s32 @!p2 $0x0;
	s12 =	sadd.s32 @!p2 s5, s8  }
0x7e: {  	[tilespmem:s11], [sflag:$0x1] =	stream.linear.gather @!p2 [hbm4b:s12+s11], $0x320, $0x38;
	[tilespmem:$0x19C80] =	vst v63  }
0x7f: {  	s26 =	simm.s32 @!p2 $0x640;
	s8 =	sadd.s32 @!p2 s6, s8  }
0x80: {  	[tilespmem:s26], [sflag:$0x1] =	stream.linear.gather @!p2 [hbm4b:s8+s11], $0x320, $0x38;
	[tilespmem:$0x19C80] =	vst v63  }
0x81: {  	s7 =	sadd.s32 $0x3200, s7;
	_ =	swait.ge [sflag:s25], $0x6400  }
0x82: {  	p1 =	sne.s32 s7, $0x32000;
	[sflag:s25] =	ssyncset.done $0x0  }
.Ltmp0:
0x83: {  	[sflag:s25] =	ssyncadd.s32 $0xFFFF9C00;
	(pc) =	sbr.rel @p1 .LBB2_2-.Ltmp0, $4  }
0x84: {  	s1 =	sadd.s32 $0xC8, s1;
	_ =	swait.ge [sflag:s25], $0x6400  }
0x85: {  	s0 =	sadd.s32 $0xC8, s0;
	s9 =	sadd.s32 $0x1904, s10;
	[sflag:s25] =	ssyncset.done $0x0  }
0x86: {  	s31 =	sadd.s32 $0x640, s31;
	s26 =	sadd.s32 $0x1900, s10;
	[sflag:s25] =	ssyncadd.s32 $0xFFFF9C00  }
0x87: {  	[hbm4b:s26+s20] =	stream.strided.scatter [tilespmem:s23], [sflag:$0x6], $0x6400, s21, s20, $0x38;
	[tilespmem:$0x19C80] =	vst v63  }
0x88: {  	[hbm4b:s9+s20] =	stream.strided.scatter [tilespmem:s24], [sflag:$0x6], $0x6400, s21, s20, $0x38;
	[tilespmem:$0x19C80] =	vst v63  }
0x89: {  	s7 =	simm.s32 @!p0 $0x5  }
0x8a: {  	_ =	swait.ge @!p0 [sflag:s7], $0x6400  }
0x8b: {  	[sflag:s7] =	ssyncset.done @!p0 $0x0  }
0x8c: {  	[sflag:s7] =	ssyncadd.s32 @!p0 $0xFFFF9C00  }
0x8d: {  	_ =	swait.ge @!p0 [sflag:s7], $0x6400  }
0x8e: {  	[sflag:s7] =	ssyncset.done @!p0 $0x0  }
0x8f: {  	[sflag:s7] =	ssyncadd.s32 @!p0 $0xFFFF9C00  }
0x90: {  	_ =	swait.ge [sflag:s14], $0x320  }
0x91: {  	[sflag:s14] =	ssyncset.done $0x0  }
0x92: {  	[sflag:s14] =	ssyncadd.s32 $0xFFFFFCE0  }
0x93: {  	_ =	swait.ge [sflag:s14], $0x320  }
0x94: {  	[sflag:s14] =	ssyncset.done $0x0  }
0x95: {  	[sflag:s14] =	ssyncadd.s32 $0xFFFFFCE0  }
0x96: {  	[tilespmem:s16], [sflag:$0x3] =	stream.indirect.gather [hbm4b:s3+s15], $0x20, s2, s15, $0xb8;
	[tilespmem:$0x19C80] =	vst v63  }
0x97: {  	_ = 	snop  }
0x98: {  	[tilespmem:s17], [sflag:$0x3] =	stream.indirect.gather [hbm4b:s4+s15], $0x20, s13, s15, $0xb8;
	[tilespmem:$0x19C80] =	vst v63  }
0x99: {  	_ = 	snop  }
0x9a: {  	[tilespmem:s15], [sflag:$0x2] =	stream.linear.gather [hbm4b:s1+s2], $0x320, $0x38;
	[tilespmem:$0x19C80] =	vst v63  }
0x9b: {  	_ = 	snop  }
0x9c: {  	[tilespmem:s18], [sflag:$0x2] =	stream.linear.gather [hbm4b:s0+s2], $0x320, $0x38;
	[tilespmem:$0x19C80] =	vst v63  }
0x9d: {  	_ =	swait.ge [sflag:s19], $0x6400  }
0x9e: {  	[sflag:s19] =	ssyncset.done $0x0  }
0x9f: {  	[sflag:s19] =	ssyncadd.s32 $0xFFFF9C00  }
0xa0: {  	_ =	swait.ge [sflag:s19], $0x6400  }
0xa1: {  	s11 =	rddreg [dreg:$0x3];
	[sflag:s19] =	ssyncset.done $0x0  }
0xa2: {  	[sflag:s19] =	ssyncadd.s32 $0xFFFF9C00;
	s0 =	sadd.s32 s30, s11  }
0xa3: {  	[hbm4b:s0+s20] =	stream.strided.scatter [tilespmem:s16], [sflag:$0x5], $0x6400, s21, s20, $0x38;
	[tilespmem:$0x19C80] =	vst v63  }
0xa4: {  	s1 =	simm.s32 @!p0 $0x6;
	s12 =	sadd.s32 $0x4, s0  }
0xa5: {  	[hbm4b:s12+s20] =	stream.strided.scatter [tilespmem:s17], [sflag:$0x5], $0x6400, s21, s20, $0x38;
	[tilespmem:$0x19C80] =	vst v63  }
0xa6: {  	_ =	swait.ge @!p0 [sflag:s1], $0x6400  }
0xa7: {  	[sflag:s1] =	ssyncset.done @!p0 $0x0  }
0xa8: {  	[sflag:s1] =	ssyncadd.s32 @!p0 $0xFFFF9C00  }
0xa9: {  	_ =	swait.ge @!p0 [sflag:s1], $0x6400  }
0xaa: {  	[sflag:s1] =	ssyncset.done @!p0 $0x0  }
0xab: {  	[sflag:s1] =	ssyncadd.s32 @!p0 $0xFFFF9C00  }
0xac: {  	_ =	swait.ge [sflag:s22], $0x320  }
0xad: {  	[sflag:s22] =	ssyncset.done $0x0  }
0xae: {  	[sflag:s22] =	ssyncadd.s32 $0xFFFFFCE0  }
0xaf: {  	_ =	swait.ge [sflag:s22], $0x320  }
0xb0: {  	[sflag:s22] =	ssyncset.done $0x0  }
0xb1: {  	p0 =	seq.s32 s30, $0x2EE00;
	[sflag:s22] =	ssyncadd.s32 $0xFFFFFCE0  }
0xb2: {  	[tilespmem:s23], [sflag:$0x4] =	stream.indirect.gather [hbm4b:s3+s15], $0x20, s15, s15, $0xb8;
	[tilespmem:$0x19C80] =	vst v63  }
0xb3: {  	s1 =	sshrl.u32 @!p0 s31, $0x3  }
0xb4: {  	[tilespmem:s24], [sflag:$0x4] =	stream.indirect.gather [hbm4b:s4+s15], $0x20, s18, s15, $0xb8;
	[tilespmem:$0x19C80] =	vst v63  }
0xb5: {  	s7 =	simm.s32 @!p0 $0x0;
	s8 =	sadd.s32 @!p0 s5, s1  }
0xb6: {  	[tilespmem:s7], [sflag:$0x1] =	stream.linear.gather @!p0 [hbm4b:s8+s7], $0x320, $0x38;
	[tilespmem:$0x19C80] =	vst v63  }
0xb7: {  	s1 =	sadd.s32 @!p0 s6, s1;
	s8 =	simm.s32 @!p0 $0x640  }
0xb8: {  	[tilespmem:s8], [sflag:$0x1] =	stream.linear.gather @!p0 [hbm4b:s1+s7], $0x320, $0x38;
	[tilespmem:$0x19C80] =	vst v63  }
0xb9: {  	_ =	swait.ge [sflag:s25], $0x6400  }
0xba: {  	[sflag:s25] =	ssyncset.done $0x0  }
0xbb: {  	[sflag:s25] =	ssyncadd.s32 $0xFFFF9C00  }
0xbc: {  	_ =	swait.ge [sflag:s25], $0x6400  }
0xbd: {  	[sflag:s25] =	ssyncset.done $0x0  }
0xbe: {  	s26 =	sadd.s32 $0x1900, s0;
	[sflag:s25] =	ssyncadd.s32 $0xFFFF9C00  }
0xbf: {  	[hbm4b:s26+s20] =	stream.strided.scatter [tilespmem:s23], [sflag:$0x6], $0x6400, s21, s20, $0x38;
	[tilespmem:$0x19C80] =	vst v63  }
0xc0: {  	s0 =	sadd.s32 $0x1904, s0;
	s30 =	simm.s32 $0x5  }
0xc1: {  	[hbm4b:s0+s20] =	stream.strided.scatter [tilespmem:s24], [sflag:$0x6], $0x6400, s21, s20, $0x38;
	[tilespmem:$0x19C80] =	vst v63  }
0xc2: {  	_ =	swait.ge [sflag:s30], $0x6400  }
0xc3: {  	[sflag:s30] =	ssyncset.done $0x0  }
0xc4: {  	[sflag:s30] =	ssyncadd.s32 $0xFFFF9C00  }
0xc5: {  	_ =	swait.ge [sflag:s30], $0x6400  }
0xc6: {  	[sflag:s30] =	ssyncset.done $0x0  }
0xc7: {  	[sflag:s30] =	ssyncadd.s32 $0xFFFF9C00  }
0xc8: {  	_ =	swait.ge [sflag:s28], $0x6400  }
0xc9: {  	[sflag:s28] =	ssyncset.done $0x0  }
0xca: {  	[sflag:s28] =	ssyncadd.s32 $0xFFFF9C00  }
0xcb: {  	_ =	swait.ge [sflag:s28], $0x6400  }
0xcc: {  	s29 =	sadd.s32 $0x1, s29;
	s31 =	rddreg [dreg:$0x6]  }
0xcd: {  	p0 =	sne.s32 s29, s31  }
.Ltmp1:
0xce: {  	_ = 	snop;
	(pc) =	sbr.rel @p0 .LBB2_1-.Ltmp1, $3  }
0xcf: {  	_ =	sdelay $0x1  }
0xd0: {  	[sflag:s28] =	ssyncset.done $0x0  }
0xd1: {  	[sflag:s28] =	ssyncadd.s32 $0xFFFF9C00  }
0xd2: {  	_ =	sfence.sel $0x180000  }
0xd3: {  	[bflag:$0x0] =	sbarrier.arrive $0xFFFF  }
0xd4: {  	_ =	strace $0x90000047  }
0xd5: {  	s0 =	stileid.u32;
	[bflag:$0x2] =	sbarrier.arrive $0xFFFF  }
0xd6: {  	p0 =	sne.s32 s0, $0x0;
	s0 =	rddreg [dreg:$0x2]  }
0xd7: {  	s0 =	sadd.s32 @!p0 $0x100000, s0  }
0xd8: {  	[sflag:s0] =	ssyncadd.tile.s32 @!p0 $0x1;
	_ =	shalt  }
.Lfunc_end2:
_tile_overlayer_lowered:
.L_overlay_start_2:
0xd9: {  	(tag) =	ssettag $0x2  }
0xda: {  	s0 =	rddreg [dreg:$0x0];
	s2 =	stileid.u32  }
0xdb: {  	s1 =	rddreg [dreg:$0x1];
	p0 =	sne.s32 s2, $0x0  }
0xdc: {  	s3 =	rddreg [dreg:$0x2];
	[bflag:$0x3] =	sbarrier.arrive $0xFFFF;
	s2 =	simm.s32 @!p0 $0x1C07  }
0xdd: {  	[timem:s3], [sflag:s2] =	dma.local @!p0 [hbm:s0], s1  }
0xde: {  	s0 =	simm.s32 @!p0 $0x7  }
0xdf: {  	_ =	swait.ge @!p0 [sflag:s0], s1  }
0xe0: {  	s1 =	ssub.s32 @!p0 $0x0, s1;
	[sflag:s0] =	ssyncset.done @!p0 $0x0  }
0xe1: {  	[sflag:s0] =	ssyncadd.s32 @!p0 s1  }
0xe2: {  	[bflag:$0x3] =	sbarrier.arrive $0xFFFF  }
0xe3: {  	_ =	shalt  }

// kernel: sparse-core-data-format-call.cloned.1.call-start
scs
called_computation_lowered:
.L_overlay_start_0:
0x0: {  	s2 =	sld [smem:$0x3FD9]  }
0x1: {  	s3 =	sld [smem:$0x3FFE];
	_ =	sdelay $0x1  }
0x2: {  	s1 =	srdreg.scid  }
0x3: {  	s0 =	sand.u32 $0x1, s1  }
0x4: {  	s18 =	sshll.u32 s0, $0xA;
	s2 =	sadd.s32 s3, s2  }
0x5: {  	s2 =	sadd.s32 s2, s18  }
0x6: {  	[smem:$0x3FC4] =	sst s2  }
0x7: {  	_ = 	snop  }
0x8: {  	s2 =	sld [smem:$0x3FD0];
	(tm) =	ssettm $0x1  }
0x9: {  	s19 =	sld [smem:$0x3FFB];
	_ =	sdelay $0x3  }
0xa: {  	_ =	strace s19  }
0xb: {  	s3 =	sld [smem:$0x3FFC];
	_ =	sdelay $0x3  }
0xc: {  	_ =	strace s3  }
0xd: {  	s3 =	sld [smem:$0x3FFD];
	_ =	sdelay $0x3  }
0xe: {  	_ =	strace s3  }
0xf: {  	_ =	strace $0x8FFFFFFF  }
0x10: {  	s20 =	sld [smem:$0x3FDB];
	_ =	sdelay $0x1  }
0x11: {  	s4 =	simm.s32 $_scs_section_size  }
0x12: {  	s5 =	simm.s32 $_size__tile_overlayer_lowered;
	s6 =	simm.s32 $_tile_overlayer_lowered  }
0x13: {  	s23 =	simm.s32 $0x1BFF;
	s22 =	sshll.u32 s6, $0x1;
	s3 =	sadd.s32 s4, s20  }
0x14: {  	s7 =	simm.s32 $0x0;
	s21 =	sshll.u32 s5, $0x1;
	s5 =	sadd.s32 s22, s3  }
0x15: {  	[timem:s7], [sflag:s23] =	dma.local [hbm:s5], s21  }
0x16: {  	_ =	swait.ge [sflag:s23], s21  }
0x17: {  	s4 =	ssub.s32 $0x0, s21;
	[sflag:s23] =	ssyncset.done $0x0  }
0x18: {  	[sflag:s23] =	ssyncadd.s32 s4;
	_ =	sdelay $0x1  }
0x19: {  	s24 =	simm.s32 $0x1B8B  }
0x1a: {  	_ =	swait.ge [sflag:s24], $0x1  }
0x1b: {  	[sflag:s24] =	ssyncset.done $0x0  }
0x1c: {  	s26 =	simm.s32 $0x1B8E;
	s25 =	sld [smem:$0x3FFE];
	[sflag:s24] =	ssyncadd.s32 $0xFFFFFFFF  }
0x1d: {  	s27 =	simm.s32 $execute0_lowered;
	[smem:$0x3FD2] =	sst s26  }
0x1e: {  	s5 =	sshll.u32 s27, $0x1;
	_ =	strace $0x80000049;
	[dreg:$0x1] =	wrdreg $0xFFFFFFFF  }
0x1f: {  	s28 =	simm.s32 $_size_execute0_lowered;
	s3 =	sadd.s32 s3, s5;
	[dreg:$0x0] =	wrdreg $0x0  }
0x20: {  	s5 =	sshll.u32 s28, $0x1;
	[dreg:$0x2] =	wrdreg s3  }
0x21: {  	[dreg:$0x3] =	wrdreg s5  }
0x22: {  	[dreg:$0x4] =	wrdreg $0xC0  }
0x23: {  	_ =	task [dreg:s7], $0x5FFFF  }
0x24: {  	[dreg:$0x1] =	wrdreg $0xFFFFFFFF  }
0x25: {  	[dreg:$0x0] =	wrdreg $0x60  }
0x26: {  	[dreg:$0x2] =	wrdreg s25  }
0x27: {  	[dreg:$0x3] =	wrdreg s2  }
0x28: {  	[dreg:$0x4] =	wrdreg $0x9  }
0x29: {  	_ =	task.clear_ibuf [dreg:s7], $0x5FFFF;
	_ =	strace $0x90000049  }
0x2a: {  	s29 =	simm.s32 $0x9;
	_ =	strace $0x8000004B  }
0x2b: {  	_ =	swait.ge [sflag:s29], $0x1  }
0x2c: {  	[sflag:s29] =	ssyncadd.s32 $0xFFFFFFFF  }
0x2d: {  	_ =	strace $0x9000004B  }
0x2e: {  	_ =	sfence  }
0x2f: {  	s30 =	sld [smem:$0x0];
	_ =	sdelay $0x2  }
0x30: {  	s31 =	sshll.u32 s1, $0xD;
	s1 =	sshrl.u32 s1, $0x2  }
0x31: {  	s3 =	sand.u32 $0x4000, s31;
	s1 =	sadd.s32 s1, s30  }
0x32: {  	s0 =	sor.u32 s3, s0;
	s1 =	sshll.u32 s1, $0x11  }
0x33: {  	s0 =	sor.u32 s1, s0  }
0x34: {  	s0 =	sadd.s32 $0x8F2B, s0  }
0x35: {  	[sflag:s0] =	ssyncadd.remote.s32 $0x1  }
0x36: {  	_ =	sfence.sel $0xFFFF  }
0x37: {  	[dreg:$0x0] =	wrdreg $0xFFFFFFFF;
	(pc) =	sbr.abs _section_cstart, $3  }
0x38: {  	[dreg:$0x1] =	wrdreg $0xFFFFFFFF  }
0x39: {  	_ =	task.clear_ibuf [dreg:s7], $0x2FFFF;
	_ =	strace $0x9FFFFFFF  }
0x3a: {  	(tm) =	ssettm $0x7FFFFFFF  }
0x3b: {  	_ =	shalt  }
tec
execute0_lowered:
.L_overlay_start_1:
0x0: {  	(tag) =	ssettag $0x1  }
0x1: {  	s0 =	srdreg.scid  }
0x2: {  	s1 =	sshll.u32 s0, $0x4  }
0x3: {  	s0 =	stileid.u32;
	s1 =	sand.u32 $0x10, s1  }
0x4: {  	s1 =	sor.u32 s0, s1  }
0x5: {  	s6 =	rddreg [dreg:$0x0];
	s4 =	simm.s32 $0x1;
	s2 =	sshll.u32 s1, $0x7  }
0x6: {  	s7 =	simm.s32 $0x2;
	s12 =	simm.s32 $0x0;
	s1 =	ssub.s32 $0x4000, s2  }
0x7: {  	s8 =	simm.s32 $0x20000;
	s13 =	simm.s32 $0x0;
	s3 =	sand.u32 $0xF80, s1  }
0x8: {  	s9 =	simm.s32 $0x0;
	s5 =	sshrl.u32 s1, $0xC;
	p0 =	sne.s32 s3, $0x0  }
.Ltmp0:
0x9: {  	s1 =	rddreg [dreg:$0x2];
	s4 =	simm.s32 @!p0 $0x0;
	(pc) =	sbr.rel .LBB1_1-.Ltmp0, $4  }
0xa: {  	s11 =	simm.s32 $0x0;
	s3 =	rddreg [dreg:$0x1];
	s5 =	sadd.s32 s4, s5  }
0xb: {  	_ =	strace $0x8000004A;
	s4 =	simm.s32 $0x1;
	s5 =	smul.u32 $0x32, s5  }
0xc: {  	s6 =	sadd.s32 $0x1A00, s6;
	s10 =	smov.u32 s2;
	[sflag:s4] =	ssyncpa.u1 $0x0  }
0xd: {  	p0 =	por $0x0, $0x0;
	[sflag:s7] =	ssyncpa.u1 $0x0;
	s7 =	sor.u32 $0x1, s5  }
.LBB1_4:
0xe: {  	s16 =	sshll.u32 s13, $0x3;
	s17 =	sand.u32 $0x78, s13  }
0xf: {  	s30 =	sand.u32 $0x1F800, s13;
	s12 =	sshll.u32 s12, $0x11;
	s16 =	sand.u32 $0x3C00, s16  }
0x10: {  	[tilespmem:s15+$0x810 ss:$0x81] =	vst.msk $0xffff, v2;
	s31 =	sand.u32 $0x7, s13;
	s16 =	sor.u32 s17, s16;
	s17 =	sadd.s32 s3, s30  }
0x11: {  	[tilespmem:s15+$0x1020 ss:$0x81] =	vst.msk $0xffff, v0;
	s13 =	sshll.u32 s31, $0x12;
	s12 =	sadd.s32 s12, s17;
	s16 =	sshrl.u32 s16, $0x3  }
0x12: {  	[tilespmem:s15+$0x0 ss:$0x81] =	vst.msk $0xffff, v1;
	s13 =	sor.u32 $0x400, s13;
	s12 =	sadd.s32 s16, s12  }
0x13: {  	[hbm4b:s12+s13] =	stream.strided.scatter [tilespmem:s14], [sflag:$0x2], $0x2000, s8, s13, $0x20;
	[tilespmem:$0x8080] =	vst v63  }
.LBB1_5:
0x14: {  	s14 =	sadd.s32 $0x1, s9  }
0x15: {  	s12 =	sadd.s32 $0x1000, s10;
	s16 =	smov.u32 s10;
	p2 =	sgt.s32 s14, $0x31  }
0x16: {  	s16 =	smov.u32 @p2 s12  }
0x17: {  	s14 =	simm.s32 @p2 $0x0;
	p2 =	sgt.s32 s16, $0x3FFF  }
0x18: {  	s16 =	smov.u32 @p2 s2;
	p2 =	sne.s32 s11, s7  }
.Ltmp1:
0x19: {  	p1 =	slt.u32 s11, $0x2;
	(pc) =	sbr.rel @!p2 .LBB1_6-.Ltmp1, $4  }
0x1a: {  	s15 =	simm.s32 @!p1 $0x2  }
0x1b: {  	s13 =	smov.u32 s10;
	p0 =	por !p0, !p0;
	_ =	swait.ge @!p1 [sflag:s15], $0x2000  }
0x1c: {  	s12 =	smov.u32 s9;
	[sflag:s15] =	ssyncset.done @!p1 $0x0;
	s9 =	smov.u32 s14  }
0x1d: {  	s11 =	sadd.s32 $0x1, s11;
	[sflag:s15] =	ssyncadd.s32 @!p1 $0xFFFFE000;
	s10 =	smov.u32 s16  }
.LBB1_1:
0x1e: {  	p1 =	sge.u32 s11, s5  }
0x1f: {  	s14 =	sand.u32 @!p1 $0x1FFFFFF, s9  }
0x20: {  	s15 =	smulhi.u32 @!p1 $0x4924925, s14;
	_ =	sdelay $0x1  }
0x21: {  	s15 =	smul.u32 @!p1 $0x38, s15  }
0x22: {  	s16 =	sxor.u32 @!p1 $0xFFFFFFFF, s11;
	s17 =	smul.u32 @!p1 $0x380, s10  }
0x23: {  	s31 =	sadd.s32 $0xFFFFFFFF, s11;
	s16 =	sshll.u32 @!p1 s16, $0xD;
	s14 =	ssub.s32 @!p1 s14, s15  }
0x24: {  	s15 =	sand.u32 @!p1 $0x2000, s16;
	s16 =	sadd.s32 @!p1 s6, s17;
	s14 =	sshll.u32 @!p1 s14, $0x4  }
0x25: {  	s17 =	simm.s32 @!p1 $0x1C00;
	s14 =	sadd.s32 @!p1 s14, s16;
	s16 =	simm.s32 @!p1 $0x40  }
0x26: {  	[tilespmem:s15], [sflag:$0x1] =	stream.strided.gather @!p1 [hbm4b:s14+s16], $0x2000, s17, s16, $0x38;
	[tilespmem:$0x8080] =	vst v63  }
0x27: {  	p1 =	sge.u32 s31, s5  }
.Ltmp2:
0x28: {  	_ = 	snop;
	(pc) =	sbr.rel @p1 .LBB1_5-.Ltmp2, $1  }
0x29: {  	_ =	sdelay $0x3  }
0x2a: {  	s14 =	simm.s32 $0x1  }
0x2b: {  	_ =	swait.ge [sflag:s4], $0x2000;
	s14 =	simm.s32 @!p0 $0x0  }
0x2c: {  	[sflag:s4] =	ssyncset.done $0x0;
	s15 =	sshll.u32 s14, $0xD  }
0x2d: {  	[sflag:s4] =	ssyncadd.s32 $0xFFFFE000;
	s18 =	sor.u32 $0x20, s15  }
0x2e: {  	s14 =	smul.u32 $0x8100, s14;
	v3 =	vld [tilespmem:s18+$0x10]  }
0x2f: {  	s30 =	sand.u32 $0x1, s11;
	v2 =	vld [tilespmem:s18+$0xFFFFFFF0]  }
0x30: {  	s15 =	smul.u32 $0x8100, s30;
	s14 =	sshrl.u32 s14, $0x2;
	v0 =	vld [tilespmem:s18+$0x0]  }
0x31: {  	v1 =	vld [tilespmem:s18+$0xFFFFFFE0];
	s16 =	sor.u32 $0x4000, s14  }
0x32: {  	s31 =	sshrl.u32 s15, $0x2;
	s15 =	sadd.s32 $0x0, s16  }
0x33: {  	s17 =	simm.s32 $0x4;
	s18 =	sadd.s32 $0x40, s18;
	s14 =	sor.u32 $0x4000, s31;
	[tilespmem:s15+$0x1830 ss:$0x81] =	vst.msk $0xffff, v3  }
.LBB1_3:
0x34: {  	v3 =	vld [tilespmem:s18+$0x10];
	p1 =	sne.s32 s17, $0x1FC;
	[tilespmem:s15+$0x810 ss:$0x81] =	vst.msk $0xffff, v2;
	s19 =	smov.u32 s17;
	s17 =	sadd.s32 $0x4, s17  }
.Ltmp3:
0x35: {  	v2 =	vld [tilespmem:s18+$0xFFFFFFF0];
	[tilespmem:s15+$0x1020 ss:$0x81] =	vst.msk $0xffff, v0;
	(pc) =	sbr.rel @p1 .LBB1_3-.Ltmp3, $4  }
0x36: {  	v0 =	vld [tilespmem:s18+$0x0];
	[tilespmem:s15+$0x0 ss:$0x81] =	vst.msk $0xffff, v1  }
0x37: {  	s15 =	sshra.s32 s19, $0x2;
	v1 =	vld [tilespmem:s18+$0xFFFFFFE0]  }
0x38: {  	s15 =	sadd.s32 s15, s16  }
0x39: {  	s18 =	sadd.s32 $0x40, s18;
	[tilespmem:s15+$0x1830 ss:$0x81] =	vst.msk $0xffff, v3  }
.Ltmp4:
0x3a: {  	_ = 	snop;
	(pc) =	sbr.rel .LBB1_4-.Ltmp4, $1  }
0x3b: {  	_ =	sdelay $0x3  }
.LBB1_6:
0x3c: {  	_ =	sfence.sel $0x180000  }
0x3d: {  	s2 =	simm.s32 $0x1;
	[bflag:$0x0] =	sbarrier.arrive $0xFFFF  }
0x3e: {  	s31 =	simm.s32 $0x2;
	[sflag:s2] =	ssyncpa.u1 $0x1  }
0x3f: {  	[sflag:s31] =	ssyncpa.u1 $0x1  }
0x40: {  	p0 =	sne.s32 s0, $0x0;
	_ =	strace $0x9000004A  }
0x41: {  	s0 =	sadd.s32 @!p0 $0x100000, s1;
	[bflag:$0x2] =	sbarrier.arrive $0xFFFF  }
0x42: {  	[sflag:s0] =	ssyncadd.tile.s32 @!p0 $0x1;
	_ =	shalt  }
.Lfunc_end1:
_tile_overlayer_lowered:
.L_overlay_start_2:
0x43: {  	(tag) =	ssettag $0x2  }
0x44: {  	s0 =	rddreg [dreg:$0x0];
	s2 =	stileid.u32  }
0x45: {  	s1 =	rddreg [dreg:$0x1];
	p0 =	sne.s32 s2, $0x0  }
0x46: {  	s3 =	rddreg [dreg:$0x2];
	[bflag:$0x3] =	sbarrier.arrive $0xFFFF;
	s2 =	simm.s32 @!p0 $0x1C01  }
0x47: {  	[timem:s3], [sflag:s2] =	dma.local @!p0 [hbm:s0], s1  }
0x48: {  	s0 =	simm.s32 @!p0 $0x1  }
0x49: {  	_ =	swait.ge @!p0 [sflag:s0], s1  }
0x4a: {  	s1 =	ssub.s32 @!p0 $0x0, s1;
	[sflag:s0] =	ssyncset.done @!p0 $0x0  }
0x4b: {  	[sflag:s0] =	ssyncadd.s32 @!p0 s1  }
0x4c: {  	[bflag:$0x3] =	sbarrier.arrive $0xFFFF  }
0x4d: {  	_ =	shalt  }

</sc_bundles>
